<compile_context>
chip_gen: v7x
topology: tpu7x:2x2x1
jax: 0.10.2.dev20260603
libtpu: 0.0.44.dev20260713+nightly
codegen_flags: <defaults>
</compile_context>

<pallas_src>
import jax
import jax.numpy as jnp
from jax import lax
from jax.experimental import pallas as pl
from jax.experimental.pallas import tpu as pltpu
from jax.experimental.pallas import tpu_sc as plsc

N = 10000
NP = 10240
E = 320000
D = 128
H = D // 2

NC = 2
NS = 16
CH = 80
EPT = E // NS
SB = 10
NSB = EPT // (SB * CH)
NPAIR = SB // 2
RPT = NP // NS
RZ = 64
NZCOPY = RPT // RZ


def _build_tables_body(feat_ref, wt_ref, b_ref, tlo_ref, thi_ref,
                       dlo_ref, dhi_ref):
    x = feat_ref[...]
    fs = jnp.maximum(
        jnp.dot(x, wt_ref[...], preferred_element_type=jnp.float32)
        + b_ref[...],
        0.0,
    )
    tlo_ref[...] = jnp.concatenate([x[:, :H], fs[:, :H]], axis=1)
    thi_ref[...] = jnp.concatenate([x[:, H:], fs[:, H:]], axis=1)
    dlo_ref[...] = x[:, :H]
    dhi_ref[...] = x[:, H:]


def _build_tables(feat, w_src, b_src):
    B = 1000
    return pl.pallas_call(
        _build_tables_body,
        grid=(N // B,),
        in_specs=[
            pl.BlockSpec((B, D), lambda i: (i, 0)),
            pl.BlockSpec((D, D), lambda i: (0, 0)),
            pl.BlockSpec((1, D), lambda i: (0, 0)),
        ],
        out_specs=[
            pl.BlockSpec((B, D), lambda i: (i, 0)),
            pl.BlockSpec((B, D), lambda i: (i, 0)),
            pl.BlockSpec((B, H), lambda i: (i, 0)),
            pl.BlockSpec((B, H), lambda i: (i, 0)),
        ],
        out_shape=[
            jax.ShapeDtypeStruct((N, D), jnp.float32),
            jax.ShapeDtypeStruct((N, D), jnp.float32),
            jax.ShapeDtypeStruct((N, H), jnp.float32),
            jax.ShapeDtypeStruct((N, H), jnp.float32),
        ],
    )(feat, w_src.T, b_src.reshape(1, D))


def _sc_edge_body(tlo, thi, dlo, dhi, src_r, dst_r,
                  den_out, num_out,
                  sidx_blk, didx_blk, srA, srB, drA, drB,
                  pb, mb, zbuf, den_sh, num_sh,
                  gsemA, gsemB, ssem):
    cid = lax.axis_index("c")
    sid = lax.axis_index("s")

    def _zfill(i, c):
        zbuf[i >> 2, pl.ds((i & 3) * 16, 16)] = jnp.zeros((16,), jnp.float32)
        return c
    lax.fori_loop(0, RZ * (H // 16), _zfill, 0, unroll=8)

    def _zcopy(t, c):
        r0 = sid * RPT + t * RZ
        pltpu.sync_copy(zbuf, den_sh.at[pl.ds(r0, RZ)])
        pltpu.sync_copy(zbuf, num_sh.at[pl.ds(r0, RZ)])
        return c
    lax.fori_loop(0, NZCOPY, _zcopy, 0)

    plsc.subcore_barrier()

    def _issue(ch, sr, dr, sem):
        @pl.when(cid == 0)
        def _():
            pltpu.async_copy(tlo.at[sidx_blk.at[ch]], sr, sem)
            pltpu.async_copy(dlo.at[didx_blk.at[ch]], dr, sem)

        @pl.when(cid != 0)
        def _():
            pltpu.async_copy(thi.at[sidx_blk.at[ch]], sr, sem)
            pltpu.async_copy(dhi.at[didx_blk.at[ch]], dr, sem)

    def _gwait(sr, dr, sem):
        pltpu.make_async_copy(tlo.at[sidx_blk.at[0]], sr, sem).wait()
        pltpu.make_async_copy(dlo.at[didx_blk.at[0]], dr, sem).wait()

    def _compute(sr, dr, p, m):
        @plsc.parallel_loop(0, CH, unroll=4)
        def _row(r):
            for g in range(H // 16):
                sl = pl.ds(g * 16, 16)
                slp = pl.ds(H + g * 16, 16)
                pp = jnp.exp(sr[r, sl] * dr[r, sl])
                p[r, sl] = pp
                m[r, sl] = pp * sr[r, slp]

    def _scatter(ch, p, m, ssem):
        pltpu.async_copy(p, den_sh.at[didx_blk.at[ch]], ssem, add=True)
        pltpu.async_copy(m, num_sh.at[didx_blk.at[ch]], ssem, add=True)

    def _sdrain(p, m, ssem):
        pltpu.make_async_copy(dlo.at[pl.ds(0, CH)], p, ssem).wait()
        pltpu.make_async_copy(dlo.at[pl.ds(0, CH)], m, ssem).wait()

    def _block(b, c):
        k = sid * NSB + b
        pltpu.sync_copy(src_r.at[k], sidx_blk)
        pltpu.sync_copy(dst_r.at[k], didx_blk)
        _issue(0, srA, drA, gsemA)

        def _pair(j, cc):
            c0 = 2 * j
            _issue(c0 + 1, srB, drB, gsemB)
            _gwait(srA, drA, gsemA)

            @pl.when(b + j > 0)
            def _():
                _sdrain(pb, mb, ssem)
            _compute(srA, drA, pb, mb)
            _scatter(c0, pb, mb, ssem)

            @pl.when(j < NPAIR - 1)
            def _():
                _issue(c0 + 2, srA, drA, gsemA)
            _gwait(srB, drB, gsemB)
            _sdrain(pb, mb, ssem)
            _compute(srB, drB, pb, mb)
            _scatter(c0 + 1, pb, mb, ssem)
            return cc
        lax.fori_loop(0, NPAIR, _pair, 0)
        return c
    lax.fori_loop(0, NSB, _block, 0)

    _sdrain(pb, mb, ssem)

    plsc.subcore_barrier()

    def _dump(t, c):
        r0 = sid * RPT + t * RZ
        pltpu.sync_copy(den_sh.at[pl.ds(r0, RZ)], den_out.at[cid, pl.ds(r0, RZ)])
        pltpu.sync_copy(num_sh.at[pl.ds(r0, RZ)], num_out.at[cid, pl.ds(r0, RZ)])
        return c
    lax.fori_loop(0, NZCOPY, _dump, 0)


def _sc_edge(tlo, thi, dlo, dhi, src, dst):
    mesh = plsc.VectorSubcoreMesh(core_axis_name="c", subcore_axis_name="s")
    f = pl.kernel(
        _sc_edge_body,
        out_type=(
            jax.ShapeDtypeStruct((2, NP, H), jnp.float32),
            jax.ShapeDtypeStruct((2, NP, H), jnp.float32),
        ),
        mesh=mesh,
        compiler_params=pltpu.CompilerParams(use_tc_tiling_on_sc=False),
        scratch_types=[
            pltpu.VMEM((SB, CH), jnp.int32),
            pltpu.VMEM((SB, CH), jnp.int32),
            pltpu.VMEM((CH, D), jnp.float32),
            pltpu.VMEM((CH, D), jnp.float32),
            pltpu.VMEM((CH, H), jnp.float32),
            pltpu.VMEM((CH, H), jnp.float32),
            pltpu.VMEM((CH, H), jnp.float32),
            pltpu.VMEM((CH, H), jnp.float32),
            pltpu.VMEM((RZ, H), jnp.float32),
            pltpu.VMEM_SHARED((NP, H), jnp.float32),
            pltpu.VMEM_SHARED((NP, H), jnp.float32),
            pltpu.SemaphoreType.DMA,
            pltpu.SemaphoreType.DMA,
            pltpu.SemaphoreType.DMA,
        ],
    )
    src_r = src.reshape(NS * NSB, SB, CH)
    dst_r = dst.reshape(NS * NSB, SB, CH)
    return f(tlo, thi, dlo, dhi, src_r, dst_r)


def _normalize_body(den_ref, num_ref, out_ref):
    d0, d1 = den_ref[0], den_ref[1]
    n0, n1 = num_ref[0], num_ref[1]
    lo = jnp.where(d0 > 0.0, n0 / d0, 0.0)
    hi = jnp.where(d1 > 0.0, n1 / d1, 0.0)
    out_ref[...] = jnp.concatenate([lo, hi], axis=1)


def _normalize(den, num):
    B = 1000
    return pl.pallas_call(
        _normalize_body,
        grid=(N // B,),
        in_specs=[
            pl.BlockSpec((2, B, H), lambda i: (0, i, 0)),
            pl.BlockSpec((2, B, H), lambda i: (0, i, 0)),
        ],
        out_specs=pl.BlockSpec((B, D), lambda i: (i, 0)),
        out_shape=jax.ShapeDtypeStruct((N, D), jnp.float32),
    )(den, num)


@jax.jit
def kernel(feat, edge_index, W_src, b_src, W_dst, b_dst):
    src = edge_index[0]
    dst = edge_index[1]
    tlo, thi, dlo, dhi = _build_tables(feat, W_src, b_src)
    den, num = _sc_edge(tlo, thi, dlo, dhi, src, dst)
    rst = _normalize(den[:, :N], num[:, :N])
    return rst.reshape(N, 1, D)

# --- scband reference (transcript-rebuilt; emitter-appended) ---
"""Pipeline reference for scband-model-8572754723151 (READ-ONLY COPY).

The authoritative reference and input builder live on the scoring server;
editing this copy changes nothing except your own understanding.
"""

import jax, jax.numpy as jnp
import numpy as np

N = 10000
E = 320000
D_IN = 128
D_OUT = 128


def setup_inputs(seed: int = 0) -> dict:
    key = jax.random.key(seed)
    k1, k2, k3, k4, k5, k6 = jax.random.split(key, 6)
    feat = jax.random.normal(k1, (N, D_IN), dtype=jnp.float32)
    edge_index = jax.random.randint(k2, (2, E), 0, N, dtype=jnp.int32)
    # xavier_normal with relu gain: std = sqrt(2) * sqrt(2 / (fan_in + fan_out)) = 0.125
    std = float(np.sqrt(2.0) * np.sqrt(2.0 / (D_IN + D_OUT)))
    W_src = jax.random.normal(k3, (D_OUT, D_IN), dtype=jnp.float32) * std
    b_src = jnp.zeros((D_OUT,), dtype=jnp.float32)
    W_dst = jax.random.normal(k4, (D_OUT, D_IN), dtype=jnp.float32) * std
    b_dst = jnp.zeros((D_OUT,), dtype=jnp.float32)
    return {"feat": feat, "edge_index": edge_index, "W_src": W_src, "b_src": b_src, "W_dst": W_dst, "b_dst": b_dst}


def reference(feat, edge_index, W_src, b_src, W_dst, b_dst):
    src = edge_index[0]
    dst = edge_index[1]
    h_src = feat
    h_dst = feat
    # apply_edges(u_mul_v): per-edge elementwise product of src and dst features
    e = h_src[src] * h_dst[dst]  # [E, D_IN]
    # edge_softmax over incoming edges of each dst node, per feature channel
    e_max = jax.ops.segment_max(e, dst, num_segments=N)  # [N, D_IN]
    e_exp = jnp.exp(e - e_max[dst])  # [E, D_IN]
    denom = jax.ops.segment_sum(e_exp, dst, num_segments=N)  # [N, D_IN]
    alpha = e_exp / denom[dst]  # [E, D_IN]
    # linear + relu on src and dst (dst branch computed but unused downstream, as in original)
    feat_src = jax.nn.relu(h_src @ W_src.T + b_src).reshape(N, 1, D_OUT)
    feat_dst = jax.nn.relu(h_dst @ W_dst.T + b_dst).reshape(N, 1, D_OUT)
    # update_all(u_mul_e, sum): message = feat_src[src] * alpha, aggregated by dst
    m = feat_src[src] * alpha[:, None, :]  # [E, 1, D_OUT]
    rst = jax.ops.segment_sum(m, dst, num_segments=N)  # [N, 1, D_OUT]
    # mess_drop is identity in eval mode
    return rst

if __name__ == "__main__":
    import jax
    _d = setup_inputs()
    print(jax.jit(kernel)(*tuple(_d.values())))

</pallas_src>

<mosaic_0001>
#map = affine_map<(d0, d1) -> (0, 0)>
#map1 = affine_map<(d0, d1) -> (0, 0, 0)>
module attributes {stable_mosaic.version = 14 : i64} {
  func.func @_sc_edge_body(%arg0: i32, %arg1: i32, %arg2: memref<10000x128xf32, #tpu.memory_space<hbm>>, %arg3: memref<10000x128xf32, #tpu.memory_space<hbm>>, %arg4: memref<10000x64xf32, #tpu.memory_space<hbm>>, %arg5: memref<10000x64xf32, #tpu.memory_space<hbm>>, %arg6: memref<400x10x80xi32, #tpu.memory_space<hbm>>, %arg7: memref<400x10x80xi32, #tpu.memory_space<hbm>>, %arg8: memref<2x10240x64xf32, #tpu.memory_space<hbm>>, %arg9: memref<2x10240x64xf32, #tpu.memory_space<hbm>>, %arg10: memref<10x80xi32, #tpu.memory_space<vmem>>, %arg11: memref<10x80xi32, #tpu.memory_space<vmem>>, %arg12: memref<80x128xf32, #tpu.memory_space<vmem>>, %arg13: memref<80x128xf32, #tpu.memory_space<vmem>>, %arg14: memref<80x64xf32, #tpu.memory_space<vmem>>, %arg15: memref<80x64xf32, #tpu.memory_space<vmem>>, %arg16: memref<80x64xf32, #tpu.memory_space<vmem>>, %arg17: memref<80x64xf32, #tpu.memory_space<vmem>>, %arg18: memref<64x64xf32, #tpu.memory_space<vmem>>, %arg19: memref<10240x64xf32, #tpu.memory_space<vmem_shared>>, %arg20: memref<10240x64xf32, #tpu.memory_space<vmem_shared>>, %arg21: memref<!tpu.dma_semaphore, #tpu.memory_space<semaphore_mem>>, %arg22: memref<!tpu.dma_semaphore, #tpu.memory_space<semaphore_mem>>, %arg23: memref<!tpu.dma_semaphore, #tpu.memory_space<semaphore_mem>>) attributes {dimension_semantics = [#tpu.dimension_semantics<core_parallel>, #tpu.dimension_semantics<subcore_parallel>], iteration_bounds = array<i64: 2, 16>, scalar_prefetch = 0 : i64, scratch_operands = 14 : i64, tpu.core_type = #tpu.core_type<sc_vector_subcore>, window_params = [{transform_indices = #map}, {transform_indices = #map}, {transform_indices = #map}, {transform_indices = #map}, {transform_indices = #map1}, {transform_indices = #map1}, {transform_indices = #map1}, {transform_indices = #map1}]} {
    %scan3A = arith.constant 0 : i32
    %scan3A_0 = arith.constant 0 : i32
    %scan3A_1 = arith.constant 256 : i32
    %scan3A_2 = arith.addi %scan3A_0, %scan3A_1 : i32
    %scan3A_3 = arith.constant 8 : i32
    scf.for %scan3A_35 = %scan3A_0 to %scan3A_2 step %scan3A_3  : i32 {
      %broadcast_in_dim3A = arith.constant 0.000000e+00 : f32
      %broadcast_in_dim3A_36 = vector.broadcast %broadcast_in_dim3A : f32 to vector<16xf32>
      %shift_right_arithmetic3A = arith.constant 2 : i32
      %shift_right_arithmetic3A_37 = arith.shrsi %scan3A_35, %shift_right_arithmetic3A : i32
      %and3A = arith.constant 3 : i32
      %and3A_38 = arith.andi %scan3A_35, %and3A : i32
      %mul3A = arith.constant 16 : i32
      %mul3A_39 = arith.muli %and3A_38, %mul3A : i32
      %swap3A = arith.index_cast %shift_right_arithmetic3A_37 : i32 to index
      %swap3A_40 = arith.index_cast %mul3A_39 : i32 to index
      %swap3A_41 = tpu.vector_load %arg18[%swap3A, %swap3A_40] {strides = array<i32>} : memref<64x64xf32, #tpu.memory_space<vmem>>, vector<1x16xf32>,
      %swap3A_42 = vector.shape_cast %swap3A_41 : vector<1x16xf32> to vector<16xf32>
      %swap3A_43 = vector.shape_cast %broadcast_in_dim3A_36 : vector<16xf32> to vector<1x16xf32>
      tpu.vector_store %arg18[%swap3A, %swap3A_40], %swap3A_43 {strides = array<i32>} : memref<64x64xf32, #tpu.memory_space<vmem>>, vector<1x16xf32>,
      %scan3A_44 = arith.constant 1 : i32
      %scan3A_45 = arith.addi %scan3A_35, %scan3A_44 : i32
      %broadcast_in_dim3A_46 = arith.constant 0.000000e+00 : f32
      %broadcast_in_dim3A_47 = vector.broadcast %broadcast_in_dim3A_46 : f32 to vector<16xf32>
      %shift_right_arithmetic3A_48 = arith.constant 2 : i32
      %shift_right_arithmetic3A_49 = arith.shrsi %scan3A_45, %shift_right_arithmetic3A_48 : i32
      %and3A_50 = arith.constant 3 : i32
      %and3A_51 = arith.andi %scan3A_45, %and3A_50 : i32
      %mul3A_52 = arith.constant 16 : i32
      %mul3A_53 = arith.muli %and3A_51, %mul3A_52 : i32
      %swap3A_54 = arith.index_cast %shift_right_arithmetic3A_49 : i32 to index
      %swap3A_55 = arith.index_cast %mul3A_53 : i32 to index
      %swap3A_56 = tpu.vector_load %arg18[%swap3A_54, %swap3A_55] {strides = array<i32>} : memref<64x64xf32, #tpu.memory_space<vmem>>, vector<1x16xf32>,
      %swap3A_57 = vector.shape_cast %swap3A_56 : vector<1x16xf32> to vector<16xf32>
      %swap3A_58 = vector.shape_cast %broadcast_in_dim3A_47 : vector<16xf32> to vector<1x16xf32>
      tpu.vector_store %arg18[%swap3A_54, %swap3A_55], %swap3A_58 {strides = array<i32>} : memref<64x64xf32, #tpu.memory_space<vmem>>, vector<1x16xf32>,
      %scan3A_59 = arith.constant 2 : i32
      %scan3A_60 = arith.addi %scan3A_35, %scan3A_59 : i32
      %broadcast_in_dim3A_61 = arith.constant 0.000000e+00 : f32
      %broadcast_in_dim3A_62 = vector.broadcast %broadcast_in_dim3A_61 : f32 to vector<16xf32>
      %shift_right_arithmetic3A_63 = arith.constant 2 : i32
      %shift_right_arithmetic3A_64 = arith.shrsi %scan3A_60, %shift_right_arithmetic3A_63 : i32
      %and3A_65 = arith.constant 3 : i32
      %and3A_66 = arith.andi %scan3A_60, %and3A_65 : i32
      %mul3A_67 = arith.constant 16 : i32
      %mul3A_68 = arith.muli %and3A_66, %mul3A_67 : i32
      %swap3A_69 = arith.index_cast %shift_right_arithmetic3A_64 : i32 to index
      %swap3A_70 = arith.index_cast %mul3A_68 : i32 to index
      %swap3A_71 = tpu.vector_load %arg18[%swap3A_69, %swap3A_70] {strides = array<i32>} : memref<64x64xf32, #tpu.memory_space<vmem>>, vector<1x16xf32>,
      %swap3A_72 = vector.shape_cast %swap3A_71 : vector<1x16xf32> to vector<16xf32>
      %swap3A_73 = vector.shape_cast %broadcast_in_dim3A_62 : vector<16xf32> to vector<1x16xf32>
      tpu.vector_store %arg18[%swap3A_69, %swap3A_70], %swap3A_73 {strides = array<i32>} : memref<64x64xf32, #tpu.memory_space<vmem>>, vector<1x16xf32>,
      %scan3A_74 = arith.constant 3 : i32
      %scan3A_75 = arith.addi %scan3A_35, %scan3A_74 : i32
      %broadcast_in_dim3A_76 = arith.constant 0.000000e+00 : f32
      %broadcast_in_dim3A_77 = vector.broadcast %broadcast_in_dim3A_76 : f32 to vector<16xf32>
      %shift_right_arithmetic3A_78 = arith.constant 2 : i32
      %shift_right_arithmetic3A_79 = arith.shrsi %scan3A_75, %shift_right_arithmetic3A_78 : i32
      %and3A_80 = arith.constant 3 : i32
      %and3A_81 = arith.andi %scan3A_75, %and3A_80 : i32
      %mul3A_82 = arith.constant 16 : i32
      %mul3A_83 = arith.muli %and3A_81, %mul3A_82 : i32
      %swap3A_84 = arith.index_cast %shift_right_arithmetic3A_79 : i32 to index
      %swap3A_85 = arith.index_cast %mul3A_83 : i32 to index
      %swap3A_86 = tpu.vector_load %arg18[%swap3A_84, %swap3A_85] {strides = array<i32>} : memref<64x64xf32, #tpu.memory_space<vmem>>, vector<1x16xf32>,
      %swap3A_87 = vector.shape_cast %swap3A_86 : vector<1x16xf32> to vector<16xf32>
      %swap3A_88 = vector.shape_cast %broadcast_in_dim3A_77 : vector<16xf32> to vector<1x16xf32>
      tpu.vector_store %arg18[%swap3A_84, %swap3A_85], %swap3A_88 {strides = array<i32>} : memref<64x64xf32, #tpu.memory_space<vmem>>, vector<1x16xf32>,
      %scan3A_89 = arith.constant 4 : i32
      %scan3A_90 = arith.addi %scan3A_35, %scan3A_89 : i32
      %broadcast_in_dim3A_91 = arith.constant 0.000000e+00 : f32
      %broadcast_in_dim3A_92 = vector.broadcast %broadcast_in_dim3A_91 : f32 to vector<16xf32>
      %shift_right_arithmetic3A_93 = arith.constant 2 : i32
      %shift_right_arithmetic3A_94 = arith.shrsi %scan3A_90, %shift_right_arithmetic3A_93 : i32
      %and3A_95 = arith.constant 3 : i32
      %and3A_96 = arith.andi %scan3A_90, %and3A_95 : i32
      %mul3A_97 = arith.constant 16 : i32
      %mul3A_98 = arith.muli %and3A_96, %mul3A_97 : i32
      %swap3A_99 = arith.index_cast %shift_right_arithmetic3A_94 : i32 to index
      %swap3A_100 = arith.index_cast %mul3A_98 : i32 to index
      %swap3A_101 = tpu.vector_load %arg18[%swap3A_99, %swap3A_100] {strides = array<i32>} : memref<64x64xf32, #tpu.memory_space<vmem>>, vector<1x16xf32>,
      %swap3A_102 = vector.shape_cast %swap3A_101 : vector<1x16xf32> to vector<16xf32>
      %swap3A_103 = vector.shape_cast %broadcast_in_dim3A_92 : vector<16xf32> to vector<1x16xf32>
      tpu.vector_store %arg18[%swap3A_99, %swap3A_100], %swap3A_103 {strides = array<i32>} : memref<64x64xf32, #tpu.memory_space<vmem>>, vector<1x16xf32>,
      %scan3A_104 = arith.constant 5 : i32
      %scan3A_105 = arith.addi %scan3A_35, %scan3A_104 : i32
      %broadcast_in_dim3A_106 = arith.constant 0.000000e+00 : f32
      %broadcast_in_dim3A_107 = vector.broadcast %broadcast_in_dim3A_106 : f32 to vector<16xf32>
      %shift_right_arithmetic3A_108 = arith.constant 2 : i32
      %shift_right_arithmetic3A_109 = arith.shrsi %scan3A_105, %shift_right_arithmetic3A_108 : i32
      %and3A_110 = arith.constant 3 : i32
      %and3A_111 = arith.andi %scan3A_105, %and3A_110 : i32
      %mul3A_112 = arith.constant 16 : i32
      %mul3A_113 = arith.muli %and3A_111, %mul3A_112 : i32
      %swap3A_114 = arith.index_cast %shift_right_arithmetic3A_109 : i32 to index
      %swap3A_115 = arith.index_cast %mul3A_113 : i32 to index
      %swap3A_116 = tpu.vector_load %arg18[%swap3A_114, %swap3A_115] {strides = array<i32>} : memref<64x64xf32, #tpu.memory_space<vmem>>, vector<1x16xf32>,
      %swap3A_117 = vector.shape_cast %swap3A_116 : vector<1x16xf32> to vector<16xf32>
      %swap3A_118 = vector.shape_cast %broadcast_in_dim3A_107 : vector<16xf32> to vector<1x16xf32>
      tpu.vector_store %arg18[%swap3A_114, %swap3A_115], %swap3A_118 {strides = array<i32>} : memref<64x64xf32, #tpu.memory_space<vmem>>, vector<1x16xf32>,
      %scan3A_119 = arith.constant 6 : i32
      %scan3A_120 = arith.addi %scan3A_35, %scan3A_119 : i32
      %broadcast_in_dim3A_121 = arith.constant 0.000000e+00 : f32
      %broadcast_in_dim3A_122 = vector.broadcast %broadcast_in_dim3A_121 : f32 to vector<16xf32>
      %shift_right_arithmetic3A_123 = arith.constant 2 : i32
      %shift_right_arithmetic3A_124 = arith.shrsi %scan3A_120, %shift_right_arithmetic3A_123 : i32
      %and3A_125 = arith.constant 3 : i32
      %and3A_126 = arith.andi %scan3A_120, %and3A_125 : i32
      %mul3A_127 = arith.constant 16 : i32
      %mul3A_128 = arith.muli %and3A_126, %mul3A_127 : i32
      %swap3A_129 = arith.index_cast %shift_right_arithmetic3A_124 : i32 to index
      %swap3A_130 = arith.index_cast %mul3A_128 : i32 to index
      %swap3A_131 = tpu.vector_load %arg18[%swap3A_129, %swap3A_130] {strides = array<i32>} : memref<64x64xf32, #tpu.memory_space<vmem>>, vector<1x16xf32>,
      %swap3A_132 = vector.shape_cast %swap3A_131 : vector<1x16xf32> to vector<16xf32>
      %swap3A_133 = vector.shape_cast %broadcast_in_dim3A_122 : vector<16xf32> to vector<1x16xf32>
      tpu.vector_store %arg18[%swap3A_129, %swap3A_130], %swap3A_133 {strides = array<i32>} : memref<64x64xf32, #tpu.memory_space<vmem>>, vector<1x16xf32>,
      %scan3A_134 = arith.constant 7 : i32
      %scan3A_135 = arith.addi %scan3A_35, %scan3A_134 : i32
      %broadcast_in_dim3A_136 = arith.constant 0.000000e+00 : f32
      %broadcast_in_dim3A_137 = vector.broadcast %broadcast_in_dim3A_136 : f32 to vector<16xf32>
      %shift_right_arithmetic3A_138 = arith.constant 2 : i32
      %shift_right_arithmetic3A_139 = arith.shrsi %scan3A_135, %shift_right_arithmetic3A_138 : i32
      %and3A_140 = arith.constant 3 : i32
      %and3A_141 = arith.andi %scan3A_135, %and3A_140 : i32
      %mul3A_142 = arith.constant 16 : i32
      %mul3A_143 = arith.muli %and3A_141, %mul3A_142 : i32
      %swap3A_144 = arith.index_cast %shift_right_arithmetic3A_139 : i32 to index
      %swap3A_145 = arith.index_cast %mul3A_143 : i32 to index
      %swap3A_146 = tpu.vector_load %arg18[%swap3A_144, %swap3A_145] {strides = array<i32>} : memref<64x64xf32, #tpu.memory_space<vmem>>, vector<1x16xf32>,
      %swap3A_147 = vector.shape_cast %swap3A_146 : vector<1x16xf32> to vector<16xf32>
      %swap3A_148 = vector.shape_cast %broadcast_in_dim3A_137 : vector<16xf32> to vector<1x16xf32>
      tpu.vector_store %arg18[%swap3A_144, %swap3A_145], %swap3A_148 {strides = array<i32>} : memref<64x64xf32, #tpu.memory_space<vmem>>, vector<1x16xf32>,
    }
    %scan3A_4 = arith.constant 256 : i32
    %scan3A_5 = arith.constant 0 : i32
    %scan3A_6 = arith.constant 0 : i32
    %scan3A_7 = arith.constant 10 : i32
    %scan3A_8 = arith.addi %scan3A_6, %scan3A_7 : i32
    %scan3A_9 = arith.constant 1 : i32
    scf.for %scan3A_35 = %scan3A_6 to %scan3A_8 step %scan3A_9  : i32 {
      %mul3A = arith.constant 640 : i32
      %mul3A_36 = arith.muli %arg1, %mul3A : i32
      %mul3A_37 = arith.constant 64 : i32
      %mul3A_38 = arith.muli %scan3A_35, %mul3A_37 : i32
      %add3A = arith.addi %mul3A_36, %mul3A_38 : i32
      "tpu.region"() ({
        %run_scoped3A = tpu.sem_alloc : memref<!tpu.dma_semaphore, #tpu.memory_space<semaphore_mem>>
        %dma_start3A = arith.constant 0 : i32
        %dma_start3A_39 = tpu.memref_slice %arg19[%add3A, %dma_start3A] : memref<10240x64xf32, #tpu.memory_space<vmem_shared>> -> memref<64x64xf32, #tpu.memory_space<vmem_shared>>
        %dma_start3A_40 = arith.constant 0 : i32
        %dma_start3A_41 = tpu.memref_slice %arg19[%add3A, %dma_start3A_40] : memref<10240x64xf32, #tpu.memory_space<vmem_shared>> -> memref<64x64xf32, #tpu.memory_space<vmem_shared>>
        tpu.enqueue_dma source(%arg18 : memref<64x64xf32, #tpu.memory_space<vmem>>) target(%dma_start3A_41 : memref<64x64xf32, #tpu.memory_space<vmem_shared>>) target_semaphore(%run_scoped3A : memref<!tpu.dma_semaphore, #tpu.memory_space<semaphore_mem>>)
        %dma_wait3A_42 = arith.constant 0 : i32
        %dma_wait3A_43 = tpu.memref_slice %arg19[%add3A, %dma_wait3A_42] : memref<10240x64xf32, #tpu.memory_space<vmem_shared>> -> memref<64x64xf32, #tpu.memory_space<vmem_shared>>
        %dma_wait3A_44 = arith.constant 0 : i32
        %dma_wait3A_45 = tpu.memref_slice %arg19[%add3A, %dma_wait3A_44] : memref<10240x64xf32, #tpu.memory_space<vmem_shared>> -> memref<64x64xf32, #tpu.memory_space<vmem_shared>>
        tpu.wait_dma2 semaphore(%run_scoped3A : memref<!tpu.dma_semaphore, #tpu.memory_space<semaphore_mem>>) src(%arg18 : memref<64x64xf32, #tpu.memory_space<vmem>>) dst(%dma_wait3A_45 : memref<64x64xf32, #tpu.memory_space<vmem_shared>>)
        tpu.yield
      }) : () -> ()
      "tpu.region"() ({
        %run_scoped3A = tpu.sem_alloc : memref<!tpu.dma_semaphore, #tpu.memory_space<semaphore_mem>>
        %dma_start3A = arith.constant 0 : i32
        %dma_start3A_39 = tpu.memref_slice %arg20[%add3A, %dma_start3A] : memref<10240x64xf32, #tpu.memory_space<vmem_shared>> -> memref<64x64xf32, #tpu.memory_space<vmem_shared>>
        %dma_start3A_40 = arith.constant 0 : i32
        %dma_start3A_41 = tpu.memref_slice %arg20[%add3A, %dma_start3A_40] : memref<10240x64xf32, #tpu.memory_space<vmem_shared>> -> memref<64x64xf32, #tpu.memory_space<vmem_shared>>
        tpu.enqueue_dma source(%arg18 : memref<64x64xf32, #tpu.memory_space<vmem>>) target(%dma_start3A_41 : memref<64x64xf32, #tpu.memory_space<vmem_shared>>) target_semaphore(%run_scoped3A : memref<!tpu.dma_semaphore, #tpu.memory_space<semaphore_mem>>)
        %dma_wait3A_42 = arith.constant 0 : i32
        %dma_wait3A_43 = tpu.memref_slice %arg20[%add3A, %dma_wait3A_42] : memref<10240x64xf32, #tpu.memory_space<vmem_shared>> -> memref<64x64xf32, #tpu.memory_space<vmem_shared>>
        %dma_wait3A_44 = arith.constant 0 : i32
        %dma_wait3A_45 = tpu.memref_slice %arg20[%add3A, %dma_wait3A_44] : memref<10240x64xf32, #tpu.memory_space<vmem_shared>> -> memref<64x64xf32, #tpu.memory_space<vmem_shared>>
        tpu.wait_dma2 semaphore(%run_scoped3A : memref<!tpu.dma_semaphore, #tpu.memory_space<semaphore_mem>>) src(%arg18 : memref<64x64xf32, #tpu.memory_space<vmem>>) dst(%dma_wait3A_45 : memref<64x64xf32, #tpu.memory_space<vmem_shared>>)
        tpu.yield
      }) : () -> ()
    }
    %scan3A_10 = arith.constant 10 : i32
    %barrier3A = arith.constant 0 : index
    tpu.barrier barrier_id(%barrier3A)
    %scan3A_11 = arith.constant 0 : i32
    %scan3A_12 = arith.constant 0 : i32
    %scan3A_13 = arith.constant 25 : i32
    %scan3A_14 = arith.addi %scan3A_12, %scan3A_13 : i32
    %scan3A_15 = arith.constant 1 : i32
    scf.for %scan3A_35 = %scan3A_12 to %scan3A_14 step %scan3A_15  : i32 {
      %mul3A = arith.constant 25 : i32
      %mul3A_36 = arith.muli %arg1, %mul3A : i32
      %add3A = arith.addi %mul3A_36, %scan3A_35 : i32
      "tpu.region"() ({
        %run_scoped3A = tpu.sem_alloc : memref<!tpu.dma_semaphore, #tpu.memory_space<semaphore_mem>>
        %dma_start3A = arith.constant 0 : i32
        %dma_start3A_49 = arith.constant 0 : i32
        %dma_start3A_50 = tpu.memref_slice %arg6[%add3A, %dma_start3A, %dma_start3A_49] : memref<400x10x80xi32, #tpu.memory_space<hbm>> -> memref<1x10x80xi32, #tpu.memory_space<hbm>>
        %dma_start3A_51 = tpu.memref_squeeze %dma_start3A_50 : memref<1x10x80xi32, #tpu.memory_space<hbm>> -> memref<10x80xi32, #tpu.memory_space<hbm>>
        %dma_start3A_52 = arith.constant 0 : i32
        %dma_start3A_53 = arith.constant 0 : i32
        %dma_start3A_54 = tpu.memref_slice %arg6[%add3A, %dma_start3A_52, %dma_start3A_53] : memref<400x10x80xi32, #tpu.memory_space<hbm>> -> memref<1x10x80xi32, #tpu.memory_space<hbm>>
        %dma_start3A_55 = tpu.memref_squeeze %dma_start3A_54 : memref<1x10x80xi32, #tpu.memory_space<hbm>> -> memref<10x80xi32, #tpu.memory_space<hbm>>
        tpu.enqueue_dma source(%dma_start3A_55 : memref<10x80xi32, #tpu.memory_space<hbm>>) target(%arg10 : memref<10x80xi32, #tpu.memory_space<vmem>>) target_semaphore(%run_scoped3A : memref<!tpu.dma_semaphore, #tpu.memory_space<semaphore_mem>>)
        %dma_wait3A_56 = arith.constant 0 : i32
        %dma_wait3A_57 = arith.constant 0 : i32
        %dma_wait3A_58 = tpu.memref_slice %arg6[%add3A, %dma_wait3A_56, %dma_wait3A_57] : memref<400x10x80xi32, #tpu.memory_space<hbm>> -> memref<1x10x80xi32, #tpu.memory_space<hbm>>
        %dma_wait3A_59 = tpu.memref_squeeze %dma_wait3A_58 : memref<1x10x80xi32, #tpu.memory_space<hbm>> -> memref<10x80xi32, #tpu.memory_space<hbm>>
        %dma_wait3A_60 = arith.constant 0 : i32
        %dma_wait3A_61 = arith.constant 0 : i32
        %dma_wait3A_62 = tpu.memref_slice %arg6[%add3A, %dma_wait3A_60, %dma_wait3A_61] : memref<400x10x80xi32, #tpu.memory_space<hbm>> -> memref<1x10x80xi32, #tpu.memory_space<hbm>>
        %dma_wait3A_63 = tpu.memref_squeeze %dma_wait3A_62 : memref<1x10x80xi32, #tpu.memory_space<hbm>> -> memref<10x80xi32, #tpu.memory_space<hbm>>
        tpu.wait_dma2 semaphore(%run_scoped3A : memref<!tpu.dma_semaphore, #tpu.memory_space<semaphore_mem>>) src(%dma_wait3A_63 : memref<10x80xi32, #tpu.memory_space<hbm>>) dst(%arg10 : memref<10x80xi32, #tpu.memory_space<vmem>>)
        tpu.yield
      }) : () -> ()
      "tpu.region"() ({
        %run_scoped3A = tpu.sem_alloc : memref<!tpu.dma_semaphore, #tpu.memory_space<semaphore_mem>>
        %dma_start3A = arith.constant 0 : i32
        %dma_start3A_49 = arith.constant 0 : i32
        %dma_start3A_50 = tpu.memref_slice %arg7[%add3A, %dma_start3A, %dma_start3A_49] : memref<400x10x80xi32, #tpu.memory_space<hbm>> -> memref<1x10x80xi32, #tpu.memory_space<hbm>>
        %dma_start3A_51 = tpu.memref_squeeze %dma_start3A_50 : memref<1x10x80xi32, #tpu.memory_space<hbm>> -> memref<10x80xi32, #tpu.memory_space<hbm>>
        %dma_start3A_52 = arith.constant 0 : i32
        %dma_start3A_53 = arith.constant 0 : i32
        %dma_start3A_54 = tpu.memref_slice %arg7[%add3A, %dma_start3A_52, %dma_start3A_53] : memref<400x10x80xi32, #tpu.memory_space<hbm>> -> memref<1x10x80xi32, #tpu.memory_space<hbm>>
        %dma_start3A_55 = tpu.memref_squeeze %dma_start3A_54 : memref<1x10x80xi32, #tpu.memory_space<hbm>> -> memref<10x80xi32, #tpu.memory_space<hbm>>
        tpu.enqueue_dma source(%dma_start3A_55 : memref<10x80xi32, #tpu.memory_space<hbm>>) target(%arg11 : memref<10x80xi32, #tpu.memory_space<vmem>>) target_semaphore(%run_scoped3A : memref<!tpu.dma_semaphore, #tpu.memory_space<semaphore_mem>>)
        %dma_wait3A_56 = arith.constant 0 : i32
        %dma_wait3A_57 = arith.constant 0 : i32
        %dma_wait3A_58 = tpu.memref_slice %arg7[%add3A, %dma_wait3A_56, %dma_wait3A_57] : memref<400x10x80xi32, #tpu.memory_space<hbm>> -> memref<1x10x80xi32, #tpu.memory_space<hbm>>
        %dma_wait3A_59 = tpu.memref_squeeze %dma_wait3A_58 : memref<1x10x80xi32, #tpu.memory_space<hbm>> -> memref<10x80xi32, #tpu.memory_space<hbm>>
        %dma_wait3A_60 = arith.constant 0 : i32
        %dma_wait3A_61 = arith.constant 0 : i32
        %dma_wait3A_62 = tpu.memref_slice %arg7[%add3A, %dma_wait3A_60, %dma_wait3A_61] : memref<400x10x80xi32, #tpu.memory_space<hbm>> -> memref<1x10x80xi32, #tpu.memory_space<hbm>>
        %dma_wait3A_63 = tpu.memref_squeeze %dma_wait3A_62 : memref<1x10x80xi32, #tpu.memory_space<hbm>> -> memref<10x80xi32, #tpu.memory_space<hbm>>
        tpu.wait_dma2 semaphore(%run_scoped3A : memref<!tpu.dma_semaphore, #tpu.memory_space<semaphore_mem>>) src(%dma_wait3A_63 : memref<10x80xi32, #tpu.memory_space<hbm>>) dst(%arg11 : memref<10x80xi32, #tpu.memory_space<vmem>>)
        tpu.yield
      }) : () -> ()
      %eq3A = arith.constant 0 : i32
      %eq3A_37 = arith.cmpi eq, %arg0, %eq3A : i32
      %convert_element_type3A = arith.extui %eq3A_37 : i1 to i32
      %cond3A = arith.constant 0 : i32
      %cond3A_38 = arith.cmpi ne, %convert_element_type3A, %cond3A : i32
      scf.if %cond3A_38 {
        %dma_start3A = arith.constant 0 : i32
        %dma_start3A_49 = arith.constant 0 : i32
        %dma_start3A_50 = tpu.memref_slice %arg10[%dma_start3A, %dma_start3A_49] : memref<10x80xi32, #tpu.memory_space<vmem>> -> memref<1x80xi32, #tpu.memory_space<vmem>>
        %dma_start3A_51 = tpu.memref_squeeze %dma_start3A_50 : memref<1x80xi32, #tpu.memory_space<vmem>> -> memref<80xi32, #tpu.memory_space<vmem>>
        %dma_start3A_52 = arith.constant 0 : i32
        %dma_start3A_53 = arith.constant 0 : i32
        %dma_start3A_54 = tpu.memref_slice %arg2[%dma_start3A_52, %dma_start3A_53] : memref<10000x128xf32, #tpu.memory_space<hbm>> -> memref<10000x128xf32, #tpu.memory_space<hbm>>
        tpu.enqueue_indirect_dma source(%dma_start3A_54 : memref<10000x128xf32, #tpu.memory_space<hbm>>) target(%arg12 : memref<80x128xf32, #tpu.memory_space<vmem>>) offsets(%dma_start3A_51 : memref<80xi32, #tpu.memory_space<vmem>>) semaphore(%arg21 : memref<!tpu.dma_semaphore, #tpu.memory_space<semaphore_mem>>)
        %dma_start3A_55 = arith.constant 0 : i32
        %dma_start3A_56 = arith.constant 0 : i32
        %dma_start3A_57 = tpu.memref_slice %arg11[%dma_start3A_55, %dma_start3A_56] : memref<10x80xi32, #tpu.memory_space<vmem>> -> memref<1x80xi32, #tpu.memory_space<vmem>>
        %dma_start3A_58 = tpu.memref_squeeze %dma_start3A_57 : memref<1x80xi32, #tpu.memory_space<vmem>> -> memref<80xi32, #tpu.memory_space<vmem>>
        %dma_start3A_59 = arith.constant 0 : i32
        %dma_start3A_60 = arith.constant 0 : i32
        %dma_start3A_61 = tpu.memref_slice %arg4[%dma_start3A_59, %dma_start3A_60] : memref<10000x64xf32, #tpu.memory_space<hbm>> -> memref<10000x64xf32, #tpu.memory_space<hbm>>
        tpu.enqueue_indirect_dma source(%dma_start3A_61 : memref<10000x64xf32, #tpu.memory_space<hbm>>) target(%arg14 : memref<80x64xf32, #tpu.memory_space<vmem>>) offsets(%dma_start3A_58 : memref<80xi32, #tpu.memory_space<vmem>>) semaphore(%arg21 : memref<!tpu.dma_semaphore, #tpu.memory_space<semaphore_mem>>)
      } else {
      }
      %ne3A = arith.constant 0 : i32
      %ne3A_39 = arith.cmpi ne, %arg0, %ne3A : i32
      %convert_element_type3A_40 = arith.extui %ne3A_39 : i1 to i32
      %cond3A_41 = arith.constant 0 : i32
      %cond3A_42 = arith.cmpi ne, %convert_element_type3A_40, %cond3A_41 : i32
      scf.if %cond3A_42 {
        %dma_start3A = arith.constant 0 : i32
        %dma_start3A_49 = arith.constant 0 : i32
        %dma_start3A_50 = tpu.memref_slice %arg10[%dma_start3A, %dma_start3A_49] : memref<10x80xi32, #tpu.memory_space<vmem>> -> memref<1x80xi32, #tpu.memory_space<vmem>>
        %dma_start3A_51 = tpu.memref_squeeze %dma_start3A_50 : memref<1x80xi32, #tpu.memory_space<vmem>> -> memref<80xi32, #tpu.memory_space<vmem>>
        %dma_start3A_52 = arith.constant 0 : i32
        %dma_start3A_53 = arith.constant 0 : i32
        %dma_start3A_54 = tpu.memref_slice %arg3[%dma_start3A_52, %dma_start3A_53] : memref<10000x128xf32, #tpu.memory_space<hbm>> -> memref<10000x128xf32, #tpu.memory_space<hbm>>
        tpu.enqueue_indirect_dma source(%dma_start3A_54 : memref<10000x128xf32, #tpu.memory_space<hbm>>) target(%arg12 : memref<80x128xf32, #tpu.memory_space<vmem>>) offsets(%dma_start3A_51 : memref<80xi32, #tpu.memory_space<vmem>>) semaphore(%arg21 : memref<!tpu.dma_semaphore, #tpu.memory_space<semaphore_mem>>)
        %dma_start3A_55 = arith.constant 0 : i32
        %dma_start3A_56 = arith.constant 0 : i32
        %dma_start3A_57 = tpu.memref_slice %arg11[%dma_start3A_55, %dma_start3A_56] : memref<10x80xi32, #tpu.memory_space<vmem>> -> memref<1x80xi32, #tpu.memory_space<vmem>>
        %dma_start3A_58 = tpu.memref_squeeze %dma_start3A_57 : memref<1x80xi32, #tpu.memory_space<vmem>> -> memref<80xi32, #tpu.memory_space<vmem>>
        %dma_start3A_59 = arith.constant 0 : i32
        %dma_start3A_60 = arith.constant 0 : i32
        %dma_start3A_61 = tpu.memref_slice %arg5[%dma_start3A_59, %dma_start3A_60] : memref<10000x64xf32, #tpu.memory_space<hbm>> -> memref<10000x64xf32, #tpu.memory_space<hbm>>
        tpu.enqueue_indirect_dma source(%dma_start3A_61 : memref<10000x64xf32, #tpu.memory_space<hbm>>) target(%arg14 : memref<80x64xf32, #tpu.memory_space<vmem>>) offsets(%dma_start3A_58 : memref<80xi32, #tpu.memory_space<vmem>>) semaphore(%arg21 : memref<!tpu.dma_semaphore, #tpu.memory_space<semaphore_mem>>)
      } else {
      }
      %scan3A_43 = arith.constant 0 : i32
      %scan3A_44 = arith.constant 0 : i32
      %scan3A_45 = arith.constant 5 : i32
      %scan3A_46 = arith.addi %scan3A_44, %scan3A_45 : i32
      %scan3A_47 = arith.constant 1 : i32
      scf.for %scan3A_49 = %scan3A_44 to %scan3A_46 step %scan3A_47  : i32 {
        %mul3A_50 = arith.constant 2 : i32
        %mul3A_51 = arith.muli %mul3A_50, %scan3A_49 : i32
        %add3A_52 = arith.constant 1 : i32
        %add3A_53 = arith.addi %mul3A_51, %add3A_52 : i32
        %eq3A_54 = arith.constant 0 : i32
        %eq3A_55 = arith.cmpi eq, %arg0, %eq3A_54 : i32
        %convert_element_type3A_56 = arith.extui %eq3A_55 : i1 to i32
        %cond3A_57 = arith.constant 0 : i32
        %cond3A_58 = arith.cmpi ne, %convert_element_type3A_56, %cond3A_57 : i32
        scf.if %cond3A_58 {
          %dma_start3A_143 = arith.constant 0 : i32
          %dma_start3A_144 = tpu.memref_slice %arg10[%add3A_53, %dma_start3A_143] : memref<10x80xi32, #tpu.memory_space<vmem>> -> memref<1x80xi32, #tpu.memory_space<vmem>>
          %dma_start3A_145 = tpu.memref_squeeze %dma_start3A_144 : memref<1x80xi32, #tpu.memory_space<vmem>> -> memref<80xi32, #tpu.memory_space<vmem>>
          %dma_start3A_146 = arith.constant 0 : i32
          %dma_start3A_147 = arith.constant 0 : i32
          %dma_start3A_148 = tpu.memref_slice %arg2[%dma_start3A_146, %dma_start3A_147] : memref<10000x128xf32, #tpu.memory_space<hbm>> -> memref<10000x128xf32, #tpu.memory_space<hbm>>
          tpu.enqueue_indirect_dma source(%dma_start3A_148 : memref<10000x128xf32, #tpu.memory_space<hbm>>) target(%arg13 : memref<80x128xf32, #tpu.memory_space<vmem>>) offsets(%dma_start3A_145 : memref<80xi32, #tpu.memory_space<vmem>>) semaphore(%arg22 : memref<!tpu.dma_semaphore, #tpu.memory_space<semaphore_mem>>)
          %dma_start3A_149 = arith.constant 0 : i32
          %dma_start3A_150 = tpu.memref_slice %arg11[%add3A_53, %dma_start3A_149] : memref<10x80xi32, #tpu.memory_space<vmem>> -> memref<1x80xi32, #tpu.memory_space<vmem>>
          %dma_start3A_151 = tpu.memref_squeeze %dma_start3A_150 : memref<1x80xi32, #tpu.memory_space<vmem>> -> memref<80xi32, #tpu.memory_space<vmem>>
          %dma_start3A_152 = arith.constant 0 : i32
          %dma_start3A_153 = arith.constant 0 : i32
          %dma_start3A_154 = tpu.memref_slice %arg4[%dma_start3A_152, %dma_start3A_153] : memref<10000x64xf32, #tpu.memory_space<hbm>> -> memref<10000x64xf32, #tpu.memory_space<hbm>>
          tpu.enqueue_indirect_dma source(%dma_start3A_154 : memref<10000x64xf32, #tpu.memory_space<hbm>>) target(%arg15 : memref<80x64xf32, #tpu.memory_space<vmem>>) offsets(%dma_start3A_151 : memref<80xi32, #tpu.memory_space<vmem>>) semaphore(%arg22 : memref<!tpu.dma_semaphore, #tpu.memory_space<semaphore_mem>>)
        } else {
        }
        %ne3A_59 = arith.constant 0 : i32
        %ne3A_60 = arith.cmpi ne, %arg0, %ne3A_59 : i32
        %convert_element_type3A_61 = arith.extui %ne3A_60 : i1 to i32
        %cond3A_62 = arith.constant 0 : i32
        %cond3A_63 = arith.cmpi ne, %convert_element_type3A_61, %cond3A_62 : i32
        scf.if %cond3A_63 {
          %dma_start3A_143 = arith.constant 0 : i32
          %dma_start3A_144 = tpu.memref_slice %arg10[%add3A_53, %dma_start3A_143] : memref<10x80xi32, #tpu.memory_space<vmem>> -> memref<1x80xi32, #tpu.memory_space<vmem>>
          %dma_start3A_145 = tpu.memref_squeeze %dma_start3A_144 : memref<1x80xi32, #tpu.memory_space<vmem>> -> memref<80xi32, #tpu.memory_space<vmem>>
          %dma_start3A_146 = arith.constant 0 : i32
          %dma_start3A_147 = arith.constant 0 : i32
          %dma_start3A_148 = tpu.memref_slice %arg3[%dma_start3A_146, %dma_start3A_147] : memref<10000x128xf32, #tpu.memory_space<hbm>> -> memref<10000x128xf32, #tpu.memory_space<hbm>>
          tpu.enqueue_indirect_dma source(%dma_start3A_148 : memref<10000x128xf32, #tpu.memory_space<hbm>>) target(%arg13 : memref<80x128xf32, #tpu.memory_space<vmem>>) offsets(%dma_start3A_145 : memref<80xi32, #tpu.memory_space<vmem>>) semaphore(%arg22 : memref<!tpu.dma_semaphore, #tpu.memory_space<semaphore_mem>>)
          %dma_start3A_149 = arith.constant 0 : i32
          %dma_start3A_150 = tpu.memref_slice %arg11[%add3A_53, %dma_start3A_149] : memref<10x80xi32, #tpu.memory_space<vmem>> -> memref<1x80xi32, #tpu.memory_space<vmem>>
          %dma_start3A_151 = tpu.memref_squeeze %dma_start3A_150 : memref<1x80xi32, #tpu.memory_space<vmem>> -> memref<80xi32, #tpu.memory_space<vmem>>
          %dma_start3A_152 = arith.constant 0 : i32
          %dma_start3A_153 = arith.constant 0 : i32
          %dma_start3A_154 = tpu.memref_slice %arg5[%dma_start3A_152, %dma_start3A_153] : memref<10000x64xf32, #tpu.memory_space<hbm>> -> memref<10000x64xf32, #tpu.memory_space<hbm>>
          tpu.enqueue_indirect_dma source(%dma_start3A_154 : memref<10000x64xf32, #tpu.memory_space<hbm>>) target(%arg15 : memref<80x64xf32, #tpu.memory_space<vmem>>) offsets(%dma_start3A_151 : memref<80xi32, #tpu.memory_space<vmem>>) semaphore(%arg22 : memref<!tpu.dma_semaphore, #tpu.memory_space<semaphore_mem>>)
        } else {
        }
        %dma_wait3A_64 = arith.constant 0 : i32
        %dma_wait3A_65 = arith.constant 0 : i32
        %dma_wait3A_66 = tpu.memref_slice %arg10[%dma_wait3A_64, %dma_wait3A_65] : memref<10x80xi32, #tpu.memory_space<vmem>> -> memref<1x80xi32, #tpu.memory_space<vmem>>
        %dma_wait3A_67 = tpu.memref_squeeze %dma_wait3A_66 : memref<1x80xi32, #tpu.memory_space<vmem>> -> memref<80xi32, #tpu.memory_space<vmem>>
        %dma_wait3A_68 = arith.constant 0 : i32
        %dma_wait3A_69 = arith.constant 0 : i32
        %dma_wait3A_70 = tpu.memref_slice %arg2[%dma_wait3A_68, %dma_wait3A_69] : memref<10000x128xf32, #tpu.memory_space<hbm>> -> memref<10000x128xf32, #tpu.memory_space<hbm>>
        tpu.wait_indirect_dma semaphore(%arg21 : memref<!tpu.dma_semaphore, #tpu.memory_space<semaphore_mem>>) src(%dma_wait3A_70 : memref<10000x128xf32, #tpu.memory_space<hbm>>) dst(%arg12 : memref<80x128xf32, #tpu.memory_space<vmem>>)
        %dma_wait3A_71 = arith.constant 0 : i32
        %dma_wait3A_72 = arith.constant 0 : i32
        %dma_wait3A_73 = tpu.memref_slice %arg11[%dma_wait3A_71, %dma_wait3A_72] : memref<10x80xi32, #tpu.memory_space<vmem>> -> memref<1x80xi32, #tpu.memory_space<vmem>>
        %dma_wait3A_74 = tpu.memref_squeeze %dma_wait3A_73 : memref<1x80xi32, #tpu.memory_space<vmem>> -> memref<80xi32, #tpu.memory_space<vmem>>
        %dma_wait3A_75 = arith.constant 0 : i32
        %dma_wait3A_76 = arith.constant 0 : i32
        %dma_wait3A_77 = tpu.memref_slice %arg4[%dma_wait3A_75, %dma_wait3A_76] : memref<10000x64xf32, #tpu.memory_space<hbm>> -> memref<10000x64xf32, #tpu.memory_space<hbm>>
        tpu.wait_indirect_dma semaphore(%arg21 : memref<!tpu.dma_semaphore, #tpu.memory_space<semaphore_mem>>) src(%dma_wait3A_77 : memref<10000x64xf32, #tpu.memory_space<hbm>>) dst(%arg14 : memref<80x64xf32, #tpu.memory_space<vmem>>)
        %add3A_78 = arith.addi %scan3A_35, %scan3A_49 : i32
        %gt3A = arith.constant 0 : i32
        %gt3A_79 = arith.cmpi sgt, %add3A_78, %gt3A : i32
        %convert_element_type3A_80 = arith.extui %gt3A_79 : i1 to i32
        %cond3A_81 = arith.constant 0 : i32
        %cond3A_82 = arith.cmpi ne, %convert_element_type3A_80, %cond3A_81 : i32
        scf.if %cond3A_82 {
          %dma_wait3A_143 = arith.constant 0 : i32
          %dma_wait3A_144 = arith.constant 0 : i32
          %dma_wait3A_145 = tpu.memref_slice %arg4[%dma_wait3A_143, %dma_wait3A_144] : memref<10000x64xf32, #tpu.memory_space<hbm>> -> memref<80x64xf32, #tpu.memory_space<hbm>>
          %dma_wait3A_146 = arith.constant 0 : i32
          %dma_wait3A_147 = arith.constant 0 : i32
          %dma_wait3A_148 = tpu.memref_slice %arg4[%dma_wait3A_146, %dma_wait3A_147] : memref<10000x64xf32, #tpu.memory_space<hbm>> -> memref<80x64xf32, #tpu.memory_space<hbm>>
          tpu.wait_dma2 semaphore(%arg23 : memref<!tpu.dma_semaphore, #tpu.memory_space<semaphore_mem>>) src(%dma_wait3A_148 : memref<80x64xf32, #tpu.memory_space<hbm>>) dst(%arg16 : memref<80x64xf32, #tpu.memory_space<vmem>>)
          %dma_wait3A_149 = arith.constant 0 : i32
          %dma_wait3A_150 = arith.constant 0 : i32
          %dma_wait3A_151 = tpu.memref_slice %arg4[%dma_wait3A_149, %dma_wait3A_150] : memref<10000x64xf32, #tpu.memory_space<hbm>> -> memref<80x64xf32, #tpu.memory_space<hbm>>
          %dma_wait3A_152 = arith.constant 0 : i32
          %dma_wait3A_153 = arith.constant 0 : i32
          %dma_wait3A_154 = tpu.memref_slice %arg4[%dma_wait3A_152, %dma_wait3A_153] : memref<10000x64xf32, #tpu.memory_space<hbm>> -> memref<80x64xf32, #tpu.memory_space<hbm>>
          tpu.wait_dma2 semaphore(%arg23 : memref<!tpu.dma_semaphore, #tpu.memory_space<semaphore_mem>>) src(%dma_wait3A_154 : memref<80x64xf32, #tpu.memory_space<hbm>>) dst(%arg17 : memref<80x64xf32, #tpu.memory_space<vmem>>)
        } else {
        }
        %parallel_loop3A = arith.constant 0 : i32
        %parallel_loop3A_83 = arith.constant 80 : i32
        %parallel_loop3A_84 = arith.constant 1 : i32
        scf.for %parallel_loop3A_143 = %parallel_loop3A to %parallel_loop3A_83 step %parallel_loop3A_84  : i32 {
          %parallel_loop3A_144 = arith.index_cast %parallel_loop3A_143 : i32 to index
          %parallel_loop3A_145 = arith.constant 0 : index
          %parallel_loop3A_146 = tpu.vector_load %arg12[%parallel_loop3A_144, %parallel_loop3A_145] {strides = array<i32>} : memref<80x128xf32, #tpu.memory_space<vmem>>, vector<1x16xf32>,
          %parallel_loop3A_147 = vector.shape_cast %parallel_loop3A_146 : vector<1x16xf32> to vector<16xf32>
          %parallel_loop3A_148 = arith.index_cast %parallel_loop3A_143 : i32 to index
          %parallel_loop3A_149 = arith.constant 0 : index
          %parallel_loop3A_150 = tpu.vector_load %arg14[%parallel_loop3A_148, %parallel_loop3A_149] {strides = array<i32>} : memref<80x64xf32, #tpu.memory_space<vmem>>, vector<1x16xf32>,
          %parallel_loop3A_151 = vector.shape_cast %parallel_loop3A_150 : vector<1x16xf32> to vector<16xf32>
          %parallel_loop3A_152 = arith.mulf %parallel_loop3A_147, %parallel_loop3A_151 : vector<16xf32>
          %parallel_loop3A_153 = math.exp %parallel_loop3A_152 : vector<16xf32>
          %parallel_loop3A_154 = arith.index_cast %parallel_loop3A_143 : i32 to index
          %parallel_loop3A_155 = arith.constant 0 : index
          %parallel_loop3A_156 = tpu.vector_load %arg16[%parallel_loop3A_154, %parallel_loop3A_155] {strides = array<i32>} : memref<80x64xf32, #tpu.memory_space<vmem>>, vector<1x16xf32>,
          %parallel_loop3A_157 = vector.shape_cast %parallel_loop3A_156 : vector<1x16xf32> to vector<16xf32>
          %parallel_loop3A_158 = vector.shape_cast %parallel_loop3A_153 : vector<16xf32> to vector<1x16xf32>
          tpu.vector_store %arg16[%parallel_loop3A_154, %parallel_loop3A_155], %parallel_loop3A_158 {strides = array<i32>} : memref<80x64xf32, #tpu.memory_space<vmem>>, vector<1x16xf32>,
          %parallel_loop3A_159 = arith.index_cast %parallel_loop3A_143 : i32 to index
          %parallel_loop3A_160 = arith.constant 64 : index
          %parallel_loop3A_161 = tpu.vector_load %arg12[%parallel_loop3A_159, %parallel_loop3A_160] {strides = array<i32>} : memref<80x128xf32, #tpu.memory_space<vmem>>, vector<1x16xf32>,
          %parallel_loop3A_162 = vector.shape_cast %parallel_loop3A_161 : vector<1x16xf32> to vector<16xf32>
          %parallel_loop3A_163 = arith.mulf %parallel_loop3A_153, %parallel_loop3A_162 : vector<16xf32>
          %parallel_loop3A_164 = arith.index_cast %parallel_loop3A_143 : i32 to index
          %parallel_loop3A_165 = arith.constant 0 : index
          %parallel_loop3A_166 = tpu.vector_load %arg17[%parallel_loop3A_164, %parallel_loop3A_165] {strides = array<i32>} : memref<80x64xf32, #tpu.memory_space<vmem>>, vector<1x16xf32>,
          %parallel_loop3A_167 = vector.shape_cast %parallel_loop3A_166 : vector<1x16xf32> to vector<16xf32>
          %parallel_loop3A_168 = vector.shape_cast %parallel_loop3A_163 : vector<16xf32> to vector<1x16xf32>
          tpu.vector_store %arg17[%parallel_loop3A_164, %parallel_loop3A_165], %parallel_loop3A_168 {strides = array<i32>} : memref<80x64xf32, #tpu.memory_space<vmem>>, vector<1x16xf32>,
          %parallel_loop3A_169 = arith.index_cast %parallel_loop3A_143 : i32 to index
          %parallel_loop3A_170 = arith.constant 16 : index
          %parallel_loop3A_171 = tpu.vector_load %arg12[%parallel_loop3A_169, %parallel_loop3A_170] {strides = array<i32>} : memref<80x128xf32, #tpu.memory_space<vmem>>, vector<1x16xf32>,
          %parallel_loop3A_172 = vector.shape_cast %parallel_loop3A_171 : vector<1x16xf32> to vector<16xf32>
          %parallel_loop3A_173 = arith.index_cast %parallel_loop3A_143 : i32 to index
          %parallel_loop3A_174 = arith.constant 16 : index
          %parallel_loop3A_175 = tpu.vector_load %arg14[%parallel_loop3A_173, %parallel_loop3A_174] {strides = array<i32>} : memref<80x64xf32, #tpu.memory_space<vmem>>, vector<1x16xf32>,
          %parallel_loop3A_176 = vector.shape_cast %parallel_loop3A_175 : vector<1x16xf32> to vector<16xf32>
          %parallel_loop3A_177 = arith.mulf %parallel_loop3A_172, %parallel_loop3A_176 : vector<16xf32>
          %parallel_loop3A_178 = math.exp %parallel_loop3A_177 : vector<16xf32>
          %parallel_loop3A_179 = arith.index_cast %parallel_loop3A_143 : i32 to index
          %parallel_loop3A_180 = arith.constant 16 : index
          %parallel_loop3A_181 = tpu.vector_load %arg16[%parallel_loop3A_179, %parallel_loop3A_180] {strides = array<i32>} : memref<80x64xf32, #tpu.memory_space<vmem>>, vector<1x16xf32>,
          %parallel_loop3A_182 = vector.shape_cast %parallel_loop3A_181 : vector<1x16xf32> to vector<16xf32>
          %parallel_loop3A_183 = vector.shape_cast %parallel_loop3A_178 : vector<16xf32> to vector<1x16xf32>
          tpu.vector_store %arg16[%parallel_loop3A_179, %parallel_loop3A_180], %parallel_loop3A_183 {strides = array<i32>} : memref<80x64xf32, #tpu.memory_space<vmem>>, vector<1x16xf32>,
          %parallel_loop3A_184 = arith.index_cast %parallel_loop3A_143 : i32 to index
          %parallel_loop3A_185 = arith.constant 80 : index
          %parallel_loop3A_186 = tpu.vector_load %arg12[%parallel_loop3A_184, %parallel_loop3A_185] {strides = array<i32>} : memref<80x128xf32, #tpu.memory_space<vmem>>, vector<1x16xf32>,
          %parallel_loop3A_187 = vector.shape_cast %parallel_loop3A_186 : vector<1x16xf32> to vector<16xf32>
          %parallel_loop3A_188 = arith.mulf %parallel_loop3A_178, %parallel_loop3A_187 : vector<16xf32>
          %parallel_loop3A_189 = arith.index_cast %parallel_loop3A_143 : i32 to index
          %parallel_loop3A_190 = arith.constant 16 : index
          %parallel_loop3A_191 = tpu.vector_load %arg17[%parallel_loop3A_189, %parallel_loop3A_190] {strides = array<i32>} : memref<80x64xf32, #tpu.memory_space<vmem>>, vector<1x16xf32>,
          %parallel_loop3A_192 = vector.shape_cast %parallel_loop3A_191 : vector<1x16xf32> to vector<16xf32>
          %parallel_loop3A_193 = vector.shape_cast %parallel_loop3A_188 : vector<16xf32> to vector<1x16xf32>
          tpu.vector_store %arg17[%parallel_loop3A_189, %parallel_loop3A_190], %parallel_loop3A_193 {strides = array<i32>} : memref<80x64xf32, #tpu.memory_space<vmem>>, vector<1x16xf32>,
          %parallel_loop3A_194 = arith.index_cast %parallel_loop3A_143 : i32 to index
          %parallel_loop3A_195 = arith.constant 32 : index
          %parallel_loop3A_196 = tpu.vector_load %arg12[%parallel_loop3A_194, %parallel_loop3A_195] {strides = array<i32>} : memref<80x128xf32, #tpu.memory_space<vmem>>, vector<1x16xf32>,
          %parallel_loop3A_197 = vector.shape_cast %parallel_loop3A_196 : vector<1x16xf32> to vector<16xf32>
          %parallel_loop3A_198 = arith.index_cast %parallel_loop3A_143 : i32 to index
          %parallel_loop3A_199 = arith.constant 32 : index
          %parallel_loop3A_200 = tpu.vector_load %arg14[%parallel_loop3A_198, %parallel_loop3A_199] {strides = array<i32>} : memref<80x64xf32, #tpu.memory_space<vmem>>, vector<1x16xf32>,
          %parallel_loop3A_201 = vector.shape_cast %parallel_loop3A_200 : vector<1x16xf32> to vector<16xf32>
          %parallel_loop3A_202 = arith.mulf %parallel_loop3A_197, %parallel_loop3A_201 : vector<16xf32>
          %parallel_loop3A_203 = math.exp %parallel_loop3A_202 : vector<16xf32>
          %parallel_loop3A_204 = arith.index_cast %parallel_loop3A_143 : i32 to index
          %parallel_loop3A_205 = arith.constant 32 : index
          %parallel_loop3A_206 = tpu.vector_load %arg16[%parallel_loop3A_204, %parallel_loop3A_205] {strides = array<i32>} : memref<80x64xf32, #tpu.memory_space<vmem>>, vector<1x16xf32>,
          %parallel_loop3A_207 = vector.shape_cast %parallel_loop3A_206 : vector<1x16xf32> to vector<16xf32>
          %parallel_loop3A_208 = vector.shape_cast %parallel_loop3A_203 : vector<16xf32> to vector<1x16xf32>
          tpu.vector_store %arg16[%parallel_loop3A_204, %parallel_loop3A_205], %parallel_loop3A_208 {strides = array<i32>} : memref<80x64xf32, #tpu.memory_space<vmem>>, vector<1x16xf32>,
          %parallel_loop3A_209 = arith.index_cast %parallel_loop3A_143 : i32 to index
          %parallel_loop3A_210 = arith.constant 96 : index
          %parallel_loop3A_211 = tpu.vector_load %arg12[%parallel_loop3A_209, %parallel_loop3A_210] {strides = array<i32>} : memref<80x128xf32, #tpu.memory_space<vmem>>, vector<1x16xf32>,
          %parallel_loop3A_212 = vector.shape_cast %parallel_loop3A_211 : vector<1x16xf32> to vector<16xf32>
          %parallel_loop3A_213 = arith.mulf %parallel_loop3A_203, %parallel_loop3A_212 : vector<16xf32>
          %parallel_loop3A_214 = arith.index_cast %parallel_loop3A_143 : i32 to index
          %parallel_loop3A_215 = arith.constant 32 : index
          %parallel_loop3A_216 = tpu.vector_load %arg17[%parallel_loop3A_214, %parallel_loop3A_215] {strides = array<i32>} : memref<80x64xf32, #tpu.memory_space<vmem>>, vector<1x16xf32>,
          %parallel_loop3A_217 = vector.shape_cast %parallel_loop3A_216 : vector<1x16xf32> to vector<16xf32>
          %parallel_loop3A_218 = vector.shape_cast %parallel_loop3A_213 : vector<16xf32> to vector<1x16xf32>
          tpu.vector_store %arg17[%parallel_loop3A_214, %parallel_loop3A_215], %parallel_loop3A_218 {strides = array<i32>} : memref<80x64xf32, #tpu.memory_space<vmem>>, vector<1x16xf32>,
          %parallel_loop3A_219 = arith.index_cast %parallel_loop3A_143 : i32 to index
          %parallel_loop3A_220 = arith.constant 48 : index
          %parallel_loop3A_221 = tpu.vector_load %arg12[%parallel_loop3A_219, %parallel_loop3A_220] {strides = array<i32>} : memref<80x128xf32, #tpu.memory_space<vmem>>, vector<1x16xf32>,
          %parallel_loop3A_222 = vector.shape_cast %parallel_loop3A_221 : vector<1x16xf32> to vector<16xf32>
          %parallel_loop3A_223 = arith.index_cast %parallel_loop3A_143 : i32 to index
          %parallel_loop3A_224 = arith.constant 48 : index
          %parallel_loop3A_225 = tpu.vector_load %arg14[%parallel_loop3A_223, %parallel_loop3A_224] {strides = array<i32>} : memref<80x64xf32, #tpu.memory_space<vmem>>, vector<1x16xf32>,
          %parallel_loop3A_226 = vector.shape_cast %parallel_loop3A_225 : vector<1x16xf32> to vector<16xf32>
          %parallel_loop3A_227 = arith.mulf %parallel_loop3A_222, %parallel_loop3A_226 : vector<16xf32>
          %parallel_loop3A_228 = math.exp %parallel_loop3A_227 : vector<16xf32>
          %parallel_loop3A_229 = arith.index_cast %parallel_loop3A_143 : i32 to index
          %parallel_loop3A_230 = arith.constant 48 : index
          %parallel_loop3A_231 = tpu.vector_load %arg16[%parallel_loop3A_229, %parallel_loop3A_230] {strides = array<i32>} : memref<80x64xf32, #tpu.memory_space<vmem>>, vector<1x16xf32>,
          %parallel_loop3A_232 = vector.shape_cast %parallel_loop3A_231 : vector<1x16xf32> to vector<16xf32>
          %parallel_loop3A_233 = vector.shape_cast %parallel_loop3A_228 : vector<16xf32> to vector<1x16xf32>
          tpu.vector_store %arg16[%parallel_loop3A_229, %parallel_loop3A_230], %parallel_loop3A_233 {strides = array<i32>} : memref<80x64xf32, #tpu.memory_space<vmem>>, vector<1x16xf32>,
          %parallel_loop3A_234 = arith.index_cast %parallel_loop3A_143 : i32 to index
          %parallel_loop3A_235 = arith.constant 112 : index
          %parallel_loop3A_236 = tpu.vector_load %arg12[%parallel_loop3A_234, %parallel_loop3A_235] {strides = array<i32>} : memref<80x128xf32, #tpu.memory_space<vmem>>, vector<1x16xf32>,
          %parallel_loop3A_237 = vector.shape_cast %parallel_loop3A_236 : vector<1x16xf32> to vector<16xf32>
          %parallel_loop3A_238 = arith.mulf %parallel_loop3A_228, %parallel_loop3A_237 : vector<16xf32>
          %parallel_loop3A_239 = arith.index_cast %parallel_loop3A_143 : i32 to index
          %parallel_loop3A_240 = arith.constant 48 : index
          %parallel_loop3A_241 = tpu.vector_load %arg17[%parallel_loop3A_239, %parallel_loop3A_240] {strides = array<i32>} : memref<80x64xf32, #tpu.memory_space<vmem>>, vector<1x16xf32>,
          %parallel_loop3A_242 = vector.shape_cast %parallel_loop3A_241 : vector<1x16xf32> to vector<16xf32>
          %parallel_loop3A_243 = vector.shape_cast %parallel_loop3A_238 : vector<16xf32> to vector<1x16xf32>
          tpu.vector_store %arg17[%parallel_loop3A_239, %parallel_loop3A_240], %parallel_loop3A_243 {strides = array<i32>} : memref<80x64xf32, #tpu.memory_space<vmem>>, vector<1x16xf32>,
        } {sc.loop_unroll_factor = 4 : i64, sc.parallel_access}
        %dma_start3A = arith.constant 0 : i32
        %dma_start3A_85 = tpu.memref_slice %arg11[%mul3A_51, %dma_start3A] : memref<10x80xi32, #tpu.memory_space<vmem>> -> memref<1x80xi32, #tpu.memory_space<vmem>>
        %dma_start3A_86 = tpu.memref_squeeze %dma_start3A_85 : memref<1x80xi32, #tpu.memory_space<vmem>> -> memref<80xi32, #tpu.memory_space<vmem>>
        %dma_start3A_87 = arith.constant 0 : i32
        %dma_start3A_88 = arith.constant 0 : i32
        %dma_start3A_89 = tpu.memref_slice %arg19[%dma_start3A_87, %dma_start3A_88] : memref<10240x64xf32, #tpu.memory_space<vmem_shared>> -> memref<10240x64xf32, #tpu.memory_space<vmem_shared>>
        tpu.enqueue_indirect_dma source(%arg16 : memref<80x64xf32, #tpu.memory_space<vmem>>) target(%dma_start3A_89 : memref<10240x64xf32, #tpu.memory_space<vmem_shared>>) offsets(%dma_start3A_86 : memref<80xi32, #tpu.memory_space<vmem>>) semaphore(%arg23 : memref<!tpu.dma_semaphore, #tpu.memory_space<semaphore_mem>>) {add = true}
        %dma_start3A_90 = arith.constant 0 : i32
        %dma_start3A_91 = tpu.memref_slice %arg11[%mul3A_51, %dma_start3A_90] : memref<10x80xi32, #tpu.memory_space<vmem>> -> memref<1x80xi32, #tpu.memory_space<vmem>>
        %dma_start3A_92 = tpu.memref_squeeze %dma_start3A_91 : memref<1x80xi32, #tpu.memory_space<vmem>> -> memref<80xi32, #tpu.memory_space<vmem>>
        %dma_start3A_93 = arith.constant 0 : i32
        %dma_start3A_94 = arith.constant 0 : i32
        %dma_start3A_95 = tpu.memref_slice %arg20[%dma_start3A_93, %dma_start3A_94] : memref<10240x64xf32, #tpu.memory_space<vmem_shared>> -> memref<10240x64xf32, #tpu.memory_space<vmem_shared>>
        tpu.enqueue_indirect_dma source(%arg17 : memref<80x64xf32, #tpu.memory_space<vmem>>) target(%dma_start3A_95 : memref<10240x64xf32, #tpu.memory_space<vmem_shared>>) offsets(%dma_start3A_92 : memref<80xi32, #tpu.memory_space<vmem>>) semaphore(%arg23 : memref<!tpu.dma_semaphore, #tpu.memory_space<semaphore_mem>>) {add = true}
        %lt3A = arith.constant 4 : i32
        %lt3A_96 = arith.cmpi slt, %scan3A_49, %lt3A : i32
        %convert_element_type3A_97 = arith.extui %lt3A_96 : i1 to i32
        %cond3A_98 = arith.constant 0 : i32
        %cond3A_99 = arith.cmpi ne, %convert_element_type3A_97, %cond3A_98 : i32
        scf.if %cond3A_99 {
          %add3A_143 = arith.constant 2 : i32
          %add3A_144 = arith.addi %mul3A_51, %add3A_143 : i32
          %eq3A_145 = arith.constant 0 : i32
          %eq3A_146 = arith.cmpi eq, %arg0, %eq3A_145 : i32
          %convert_element_type3A_147 = arith.extui %eq3A_146 : i1 to i32
          %cond3A_148 = arith.constant 0 : i32
          %cond3A_149 = arith.cmpi ne, %convert_element_type3A_147, %cond3A_148 : i32
          scf.if %cond3A_149 {
            %dma_start3A_155 = arith.constant 0 : i32
            %dma_start3A_156 = tpu.memref_slice %arg10[%add3A_144, %dma_start3A_155] : memref<10x80xi32, #tpu.memory_space<vmem>> -> memref<1x80xi32, #tpu.memory_space<vmem>>
            %dma_start3A_157 = tpu.memref_squeeze %dma_start3A_156 : memref<1x80xi32, #tpu.memory_space<vmem>> -> memref<80xi32, #tpu.memory_space<vmem>>
            %dma_start3A_158 = arith.constant 0 : i32
            %dma_start3A_159 = arith.constant 0 : i32
            %dma_start3A_160 = tpu.memref_slice %arg2[%dma_start3A_158, %dma_start3A_159] : memref<10000x128xf32, #tpu.memory_space<hbm>> -> memref<10000x128xf32, #tpu.memory_space<hbm>>
            tpu.enqueue_indirect_dma source(%dma_start3A_160 : memref<10000x128xf32, #tpu.memory_space<hbm>>) target(%arg12 : memref<80x128xf32, #tpu.memory_space<vmem>>) offsets(%dma_start3A_157 : memref<80xi32, #tpu.memory_space<vmem>>) semaphore(%arg21 : memref<!tpu.dma_semaphore, #tpu.memory_space<semaphore_mem>>)
            %dma_start3A_161 = arith.constant 0 : i32
            %dma_start3A_162 = tpu.memref_slice %arg11[%add3A_144, %dma_start3A_161] : memref<10x80xi32, #tpu.memory_space<vmem>> -> memref<1x80xi32, #tpu.memory_space<vmem>>
            %dma_start3A_163 = tpu.memref_squeeze %dma_start3A_162 : memref<1x80xi32, #tpu.memory_space<vmem>> -> memref<80xi32, #tpu.memory_space<vmem>>
            %dma_start3A_164 = arith.constant 0 : i32
            %dma_start3A_165 = arith.constant 0 : i32
            %dma_start3A_166 = tpu.memref_slice %arg4[%dma_start3A_164, %dma_start3A_165] : memref<10000x64xf32, #tpu.memory_space<hbm>> -> memref<10000x64xf32, #tpu.memory_space<hbm>>
            tpu.enqueue_indirect_dma source(%dma_start3A_166 : memref<10000x64xf32, #tpu.memory_space<hbm>>) target(%arg14 : memref<80x64xf32, #tpu.memory_space<vmem>>) offsets(%dma_start3A_163 : memref<80xi32, #tpu.memory_space<vmem>>) semaphore(%arg21 : memref<!tpu.dma_semaphore, #tpu.memory_space<semaphore_mem>>)
          } else {
          }
          %ne3A_150 = arith.constant 0 : i32
          %ne3A_151 = arith.cmpi ne, %arg0, %ne3A_150 : i32
          %convert_element_type3A_152 = arith.extui %ne3A_151 : i1 to i32
          %cond3A_153 = arith.constant 0 : i32
          %cond3A_154 = arith.cmpi ne, %convert_element_type3A_152, %cond3A_153 : i32
          scf.if %cond3A_154 {
            %dma_start3A_155 = arith.constant 0 : i32
            %dma_start3A_156 = tpu.memref_slice %arg10[%add3A_144, %dma_start3A_155] : memref<10x80xi32, #tpu.memory_space<vmem>> -> memref<1x80xi32, #tpu.memory_space<vmem>>
            %dma_start3A_157 = tpu.memref_squeeze %dma_start3A_156 : memref<1x80xi32, #tpu.memory_space<vmem>> -> memref<80xi32, #tpu.memory_space<vmem>>
            %dma_start3A_158 = arith.constant 0 : i32
            %dma_start3A_159 = arith.constant 0 : i32
            %dma_start3A_160 = tpu.memref_slice %arg3[%dma_start3A_158, %dma_start3A_159] : memref<10000x128xf32, #tpu.memory_space<hbm>> -> memref<10000x128xf32, #tpu.memory_space<hbm>>
            tpu.enqueue_indirect_dma source(%dma_start3A_160 : memref<10000x128xf32, #tpu.memory_space<hbm>>) target(%arg12 : memref<80x128xf32, #tpu.memory_space<vmem>>) offsets(%dma_start3A_157 : memref<80xi32, #tpu.memory_space<vmem>>) semaphore(%arg21 : memref<!tpu.dma_semaphore, #tpu.memory_space<semaphore_mem>>)
            %dma_start3A_161 = arith.constant 0 : i32
            %dma_start3A_162 = tpu.memref_slice %arg11[%add3A_144, %dma_start3A_161] : memref<10x80xi32, #tpu.memory_space<vmem>> -> memref<1x80xi32, #tpu.memory_space<vmem>>
            %dma_start3A_163 = tpu.memref_squeeze %dma_start3A_162 : memref<1x80xi32, #tpu.memory_space<vmem>> -> memref<80xi32, #tpu.memory_space<vmem>>
            %dma_start3A_164 = arith.constant 0 : i32
            %dma_start3A_165 = arith.constant 0 : i32
            %dma_start3A_166 = tpu.memref_slice %arg5[%dma_start3A_164, %dma_start3A_165] : memref<10000x64xf32, #tpu.memory_space<hbm>> -> memref<10000x64xf32, #tpu.memory_space<hbm>>
            tpu.enqueue_indirect_dma source(%dma_start3A_166 : memref<10000x64xf32, #tpu.memory_space<hbm>>) target(%arg14 : memref<80x64xf32, #tpu.memory_space<vmem>>) offsets(%dma_start3A_163 : memref<80xi32, #tpu.memory_space<vmem>>) semaphore(%arg21 : memref<!tpu.dma_semaphore, #tpu.memory_space<semaphore_mem>>)
          } else {
          }
        } else {
        }
        %dma_wait3A_100 = arith.constant 0 : i32
        %dma_wait3A_101 = arith.constant 0 : i32
        %dma_wait3A_102 = tpu.memref_slice %arg10[%dma_wait3A_100, %dma_wait3A_101] : memref<10x80xi32, #tpu.memory_space<vmem>> -> memref<1x80xi32, #tpu.memory_space<vmem>>
        %dma_wait3A_103 = tpu.memref_squeeze %dma_wait3A_102 : memref<1x80xi32, #tpu.memory_space<vmem>> -> memref<80xi32, #tpu.memory_space<vmem>>
        %dma_wait3A_104 = arith.constant 0 : i32
        %dma_wait3A_105 = arith.constant 0 : i32
        %dma_wait3A_106 = tpu.memref_slice %arg2[%dma_wait3A_104, %dma_wait3A_105] : memref<10000x128xf32, #tpu.memory_space<hbm>> -> memref<10000x128xf32, #tpu.memory_space<hbm>>
        tpu.wait_indirect_dma semaphore(%arg22 : memref<!tpu.dma_semaphore, #tpu.memory_space<semaphore_mem>>) src(%dma_wait3A_106 : memref<10000x128xf32, #tpu.memory_space<hbm>>) dst(%arg13 : memref<80x128xf32, #tpu.memory_space<vmem>>)
        %dma_wait3A_107 = arith.constant 0 : i32
        %dma_wait3A_108 = arith.constant 0 : i32
        %dma_wait3A_109 = tpu.memref_slice %arg11[%dma_wait3A_107, %dma_wait3A_108] : memref<10x80xi32, #tpu.memory_space<vmem>> -> memref<1x80xi32, #tpu.memory_space<vmem>>
        %dma_wait3A_110 = tpu.memref_squeeze %dma_wait3A_109 : memref<1x80xi32, #tpu.memory_space<vmem>> -> memref<80xi32, #tpu.memory_space<vmem>>
        %dma_wait3A_111 = arith.constant 0 : i32
        %dma_wait3A_112 = arith.constant 0 : i32
        %dma_wait3A_113 = tpu.memref_slice %arg4[%dma_wait3A_111, %dma_wait3A_112] : memref<10000x64xf32, #tpu.memory_space<hbm>> -> memref<10000x64xf32, #tpu.memory_space<hbm>>
        tpu.wait_indirect_dma semaphore(%arg22 : memref<!tpu.dma_semaphore, #tpu.memory_space<semaphore_mem>>) src(%dma_wait3A_113 : memref<10000x64xf32, #tpu.memory_space<hbm>>) dst(%arg15 : memref<80x64xf32, #tpu.memory_space<vmem>>)
        %dma_wait3A_114 = arith.constant 0 : i32
        %dma_wait3A_115 = arith.constant 0 : i32
        %dma_wait3A_116 = tpu.memref_slice %arg4[%dma_wait3A_114, %dma_wait3A_115] : memref<10000x64xf32, #tpu.memory_space<hbm>> -> memref<80x64xf32, #tpu.memory_space<hbm>>
        %dma_wait3A_117 = arith.constant 0 : i32
        %dma_wait3A_118 = arith.constant 0 : i32
        %dma_wait3A_119 = tpu.memref_slice %arg4[%dma_wait3A_117, %dma_wait3A_118] : memref<10000x64xf32, #tpu.memory_space<hbm>> -> memref<80x64xf32, #tpu.memory_space<hbm>>
        tpu.wait_dma2 semaphore(%arg23 : memref<!tpu.dma_semaphore, #tpu.memory_space<semaphore_mem>>) src(%dma_wait3A_119 : memref<80x64xf32, #tpu.memory_space<hbm>>) dst(%arg16 : memref<80x64xf32, #tpu.memory_space<vmem>>)
        %dma_wait3A_120 = arith.constant 0 : i32
        %dma_wait3A_121 = arith.constant 0 : i32
        %dma_wait3A_122 = tpu.memref_slice %arg4[%dma_wait3A_120, %dma_wait3A_121] : memref<10000x64xf32, #tpu.memory_space<hbm>> -> memref<80x64xf32, #tpu.memory_space<hbm>>
        %dma_wait3A_123 = arith.constant 0 : i32
        %dma_wait3A_124 = arith.constant 0 : i32
        %dma_wait3A_125 = tpu.memref_slice %arg4[%dma_wait3A_123, %dma_wait3A_124] : memref<10000x64xf32, #tpu.memory_space<hbm>> -> memref<80x64xf32, #tpu.memory_space<hbm>>
        tpu.wait_dma2 semaphore(%arg23 : memref<!tpu.dma_semaphore, #tpu.memory_space<semaphore_mem>>) src(%dma_wait3A_125 : memref<80x64xf32, #tpu.memory_space<hbm>>) dst(%arg17 : memref<80x64xf32, #tpu.memory_space<vmem>>)
        %parallel_loop3A_126 = arith.constant 0 : i32
        %parallel_loop3A_127 = arith.constant 80 : i32
        %parallel_loop3A_128 = arith.constant 1 : i32
        scf.for %parallel_loop3A_143 = %parallel_loop3A_126 to %parallel_loop3A_127 step %parallel_loop3A_128  : i32 {
          %parallel_loop3A_144 = arith.index_cast %parallel_loop3A_143 : i32 to index
          %parallel_loop3A_145 = arith.constant 0 : index
          %parallel_loop3A_146 = tpu.vector_load %arg13[%parallel_loop3A_144, %parallel_loop3A_145] {strides = array<i32>} : memref<80x128xf32, #tpu.memory_space<vmem>>, vector<1x16xf32>,
          %parallel_loop3A_147 = vector.shape_cast %parallel_loop3A_146 : vector<1x16xf32> to vector<16xf32>
          %parallel_loop3A_148 = arith.index_cast %parallel_loop3A_143 : i32 to index
          %parallel_loop3A_149 = arith.constant 0 : index
          %parallel_loop3A_150 = tpu.vector_load %arg15[%parallel_loop3A_148, %parallel_loop3A_149] {strides = array<i32>} : memref<80x64xf32, #tpu.memory_space<vmem>>, vector<1x16xf32>,
          %parallel_loop3A_151 = vector.shape_cast %parallel_loop3A_150 : vector<1x16xf32> to vector<16xf32>
          %parallel_loop3A_152 = arith.mulf %parallel_loop3A_147, %parallel_loop3A_151 : vector<16xf32>
          %parallel_loop3A_153 = math.exp %parallel_loop3A_152 : vector<16xf32>
          %parallel_loop3A_154 = arith.index_cast %parallel_loop3A_143 : i32 to index
          %parallel_loop3A_155 = arith.constant 0 : index
          %parallel_loop3A_156 = tpu.vector_load %arg16[%parallel_loop3A_154, %parallel_loop3A_155] {strides = array<i32>} : memref<80x64xf32, #tpu.memory_space<vmem>>, vector<1x16xf32>,
          %parallel_loop3A_157 = vector.shape_cast %parallel_loop3A_156 : vector<1x16xf32> to vector<16xf32>
          %parallel_loop3A_158 = vector.shape_cast %parallel_loop3A_153 : vector<16xf32> to vector<1x16xf32>
          tpu.vector_store %arg16[%parallel_loop3A_154, %parallel_loop3A_155], %parallel_loop3A_158 {strides = array<i32>} : memref<80x64xf32, #tpu.memory_space<vmem>>, vector<1x16xf32>,
          %parallel_loop3A_159 = arith.index_cast %parallel_loop3A_143 : i32 to index
          %parallel_loop3A_160 = arith.constant 64 : index
          %parallel_loop3A_161 = tpu.vector_load %arg13[%parallel_loop3A_159, %parallel_loop3A_160] {strides = array<i32>} : memref<80x128xf32, #tpu.memory_space<vmem>>, vector<1x16xf32>,
          %parallel_loop3A_162 = vector.shape_cast %parallel_loop3A_161 : vector<1x16xf32> to vector<16xf32>
          %parallel_loop3A_163 = arith.mulf %parallel_loop3A_153, %parallel_loop3A_162 : vector<16xf32>
          %parallel_loop3A_164 = arith.index_cast %parallel_loop3A_143 : i32 to index
          %parallel_loop3A_165 = arith.constant 0 : index
          %parallel_loop3A_166 = tpu.vector_load %arg17[%parallel_loop3A_164, %parallel_loop3A_165] {strides = array<i32>} : memref<80x64xf32, #tpu.memory_space<vmem>>, vector<1x16xf32>,
          %parallel_loop3A_167 = vector.shape_cast %parallel_loop3A_166 : vector<1x16xf32> to vector<16xf32>
          %parallel_loop3A_168 = vector.shape_cast %parallel_loop3A_163 : vector<16xf32> to vector<1x16xf32>
          tpu.vector_store %arg17[%parallel_loop3A_164, %parallel_loop3A_165], %parallel_loop3A_168 {strides = array<i32>} : memref<80x64xf32, #tpu.memory_space<vmem>>, vector<1x16xf32>,
          %parallel_loop3A_169 = arith.index_cast %parallel_loop3A_143 : i32 to index
          %parallel_loop3A_170 = arith.constant 16 : index
          %parallel_loop3A_171 = tpu.vector_load %arg13[%parallel_loop3A_169, %parallel_loop3A_170] {strides = array<i32>} : memref<80x128xf32, #tpu.memory_space<vmem>>, vector<1x16xf32>,
          %parallel_loop3A_172 = vector.shape_cast %parallel_loop3A_171 : vector<1x16xf32> to vector<16xf32>
          %parallel_loop3A_173 = arith.index_cast %parallel_loop3A_143 : i32 to index
          %parallel_loop3A_174 = arith.constant 16 : index
          %parallel_loop3A_175 = tpu.vector_load %arg15[%parallel_loop3A_173, %parallel_loop3A_174] {strides = array<i32>} : memref<80x64xf32, #tpu.memory_space<vmem>>, vector<1x16xf32>,
          %parallel_loop3A_176 = vector.shape_cast %parallel_loop3A_175 : vector<1x16xf32> to vector<16xf32>
          %parallel_loop3A_177 = arith.mulf %parallel_loop3A_172, %parallel_loop3A_176 : vector<16xf32>
          %parallel_loop3A_178 = math.exp %parallel_loop3A_177 : vector<16xf32>
          %parallel_loop3A_179 = arith.index_cast %parallel_loop3A_143 : i32 to index
          %parallel_loop3A_180 = arith.constant 16 : index
          %parallel_loop3A_181 = tpu.vector_load %arg16[%parallel_loop3A_179, %parallel_loop3A_180] {strides = array<i32>} : memref<80x64xf32, #tpu.memory_space<vmem>>, vector<1x16xf32>,
          %parallel_loop3A_182 = vector.shape_cast %parallel_loop3A_181 : vector<1x16xf32> to vector<16xf32>
          %parallel_loop3A_183 = vector.shape_cast %parallel_loop3A_178 : vector<16xf32> to vector<1x16xf32>
          tpu.vector_store %arg16[%parallel_loop3A_179, %parallel_loop3A_180], %parallel_loop3A_183 {strides = array<i32>} : memref<80x64xf32, #tpu.memory_space<vmem>>, vector<1x16xf32>,
          %parallel_loop3A_184 = arith.index_cast %parallel_loop3A_143 : i32 to index
          %parallel_loop3A_185 = arith.constant 80 : index
          %parallel_loop3A_186 = tpu.vector_load %arg13[%parallel_loop3A_184, %parallel_loop3A_185] {strides = array<i32>} : memref<80x128xf32, #tpu.memory_space<vmem>>, vector<1x16xf32>,
          %parallel_loop3A_187 = vector.shape_cast %parallel_loop3A_186 : vector<1x16xf32> to vector<16xf32>
          %parallel_loop3A_188 = arith.mulf %parallel_loop3A_178, %parallel_loop3A_187 : vector<16xf32>
          %parallel_loop3A_189 = arith.index_cast %parallel_loop3A_143 : i32 to index
          %parallel_loop3A_190 = arith.constant 16 : index
          %parallel_loop3A_191 = tpu.vector_load %arg17[%parallel_loop3A_189, %parallel_loop3A_190] {strides = array<i32>} : memref<80x64xf32, #tpu.memory_space<vmem>>, vector<1x16xf32>,
          %parallel_loop3A_192 = vector.shape_cast %parallel_loop3A_191 : vector<1x16xf32> to vector<16xf32>
          %parallel_loop3A_193 = vector.shape_cast %parallel_loop3A_188 : vector<16xf32> to vector<1x16xf32>
          tpu.vector_store %arg17[%parallel_loop3A_189, %parallel_loop3A_190], %parallel_loop3A_193 {strides = array<i32>} : memref<80x64xf32, #tpu.memory_space<vmem>>, vector<1x16xf32>,
          %parallel_loop3A_194 = arith.index_cast %parallel_loop3A_143 : i32 to index
          %parallel_loop3A_195 = arith.constant 32 : index
          %parallel_loop3A_196 = tpu.vector_load %arg13[%parallel_loop3A_194, %parallel_loop3A_195] {strides = array<i32>} : memref<80x128xf32, #tpu.memory_space<vmem>>, vector<1x16xf32>,
          %parallel_loop3A_197 = vector.shape_cast %parallel_loop3A_196 : vector<1x16xf32> to vector<16xf32>
          %parallel_loop3A_198 = arith.index_cast %parallel_loop3A_143 : i32 to index
          %parallel_loop3A_199 = arith.constant 32 : index
          %parallel_loop3A_200 = tpu.vector_load %arg15[%parallel_loop3A_198, %parallel_loop3A_199] {strides = array<i32>} : memref<80x64xf32, #tpu.memory_space<vmem>>, vector<1x16xf32>,
          %parallel_loop3A_201 = vector.shape_cast %parallel_loop3A_200 : vector<1x16xf32> to vector<16xf32>
          %parallel_loop3A_202 = arith.mulf %parallel_loop3A_197, %parallel_loop3A_201 : vector<16xf32>
          %parallel_loop3A_203 = math.exp %parallel_loop3A_202 : vector<16xf32>
          %parallel_loop3A_204 = arith.index_cast %parallel_loop3A_143 : i32 to index
          %parallel_loop3A_205 = arith.constant 32 : index
          %parallel_loop3A_206 = tpu.vector_load %arg16[%parallel_loop3A_204, %parallel_loop3A_205] {strides = array<i32>} : memref<80x64xf32, #tpu.memory_space<vmem>>, vector<1x16xf32>,
          %parallel_loop3A_207 = vector.shape_cast %parallel_loop3A_206 : vector<1x16xf32> to vector<16xf32>
          %parallel_loop3A_208 = vector.shape_cast %parallel_loop3A_203 : vector<16xf32> to vector<1x16xf32>
          tpu.vector_store %arg16[%parallel_loop3A_204, %parallel_loop3A_205], %parallel_loop3A_208 {strides = array<i32>} : memref<80x64xf32, #tpu.memory_space<vmem>>, vector<1x16xf32>,
          %parallel_loop3A_209 = arith.index_cast %parallel_loop3A_143 : i32 to index
          %parallel_loop3A_210 = arith.constant 96 : index
          %parallel_loop3A_211 = tpu.vector_load %arg13[%parallel_loop3A_209, %parallel_loop3A_210] {strides = array<i32>} : memref<80x128xf32, #tpu.memory_space<vmem>>, vector<1x16xf32>,
          %parallel_loop3A_212 = vector.shape_cast %parallel_loop3A_211 : vector<1x16xf32> to vector<16xf32>
          %parallel_loop3A_213 = arith.mulf %parallel_loop3A_203, %parallel_loop3A_212 : vector<16xf32>
          %parallel_loop3A_214 = arith.index_cast %parallel_loop3A_143 : i32 to index
          %parallel_loop3A_215 = arith.constant 32 : index
          %parallel_loop3A_216 = tpu.vector_load %arg17[%parallel_loop3A_214, %parallel_loop3A_215] {strides = array<i32>} : memref<80x64xf32, #tpu.memory_space<vmem>>, vector<1x16xf32>,
          %parallel_loop3A_217 = vector.shape_cast %parallel_loop3A_216 : vector<1x16xf32> to vector<16xf32>
          %parallel_loop3A_218 = vector.shape_cast %parallel_loop3A_213 : vector<16xf32> to vector<1x16xf32>
          tpu.vector_store %arg17[%parallel_loop3A_214, %parallel_loop3A_215], %parallel_loop3A_218 {strides = array<i32>} : memref<80x64xf32, #tpu.memory_space<vmem>>, vector<1x16xf32>,
          %parallel_loop3A_219 = arith.index_cast %parallel_loop3A_143 : i32 to index
          %parallel_loop3A_220 = arith.constant 48 : index
          %parallel_loop3A_221 = tpu.vector_load %arg13[%parallel_loop3A_219, %parallel_loop3A_220] {strides = array<i32>} : memref<80x128xf32, #tpu.memory_space<vmem>>, vector<1x16xf32>,
          %parallel_loop3A_222 = vector.shape_cast %parallel_loop3A_221 : vector<1x16xf32> to vector<16xf32>
          %parallel_loop3A_223 = arith.index_cast %parallel_loop3A_143 : i32 to index
          %parallel_loop3A_224 = arith.constant 48 : index
          %parallel_loop3A_225 = tpu.vector_load %arg15[%parallel_loop3A_223, %parallel_loop3A_224] {strides = array<i32>} : memref<80x64xf32, #tpu.memory_space<vmem>>, vector<1x16xf32>,
          %parallel_loop3A_226 = vector.shape_cast %parallel_loop3A_225 : vector<1x16xf32> to vector<16xf32>
          %parallel_loop3A_227 = arith.mulf %parallel_loop3A_222, %parallel_loop3A_226 : vector<16xf32>
          %parallel_loop3A_228 = math.exp %parallel_loop3A_227 : vector<16xf32>
          %parallel_loop3A_229 = arith.index_cast %parallel_loop3A_143 : i32 to index
          %parallel_loop3A_230 = arith.constant 48 : index
          %parallel_loop3A_231 = tpu.vector_load %arg16[%parallel_loop3A_229, %parallel_loop3A_230] {strides = array<i32>} : memref<80x64xf32, #tpu.memory_space<vmem>>, vector<1x16xf32>,
          %parallel_loop3A_232 = vector.shape_cast %parallel_loop3A_231 : vector<1x16xf32> to vector<16xf32>
          %parallel_loop3A_233 = vector.shape_cast %parallel_loop3A_228 : vector<16xf32> to vector<1x16xf32>
          tpu.vector_store %arg16[%parallel_loop3A_229, %parallel_loop3A_230], %parallel_loop3A_233 {strides = array<i32>} : memref<80x64xf32, #tpu.memory_space<vmem>>, vector<1x16xf32>,
          %parallel_loop3A_234 = arith.index_cast %parallel_loop3A_143 : i32 to index
          %parallel_loop3A_235 = arith.constant 112 : index
          %parallel_loop3A_236 = tpu.vector_load %arg13[%parallel_loop3A_234, %parallel_loop3A_235] {strides = array<i32>} : memref<80x128xf32, #tpu.memory_space<vmem>>, vector<1x16xf32>,
          %parallel_loop3A_237 = vector.shape_cast %parallel_loop3A_236 : vector<1x16xf32> to vector<16xf32>
          %parallel_loop3A_238 = arith.mulf %parallel_loop3A_228, %parallel_loop3A_237 : vector<16xf32>
          %parallel_loop3A_239 = arith.index_cast %parallel_loop3A_143 : i32 to index
          %parallel_loop3A_240 = arith.constant 48 : index
          %parallel_loop3A_241 = tpu.vector_load %arg17[%parallel_loop3A_239, %parallel_loop3A_240] {strides = array<i32>} : memref<80x64xf32, #tpu.memory_space<vmem>>, vector<1x16xf32>,
          %parallel_loop3A_242 = vector.shape_cast %parallel_loop3A_241 : vector<1x16xf32> to vector<16xf32>
          %parallel_loop3A_243 = vector.shape_cast %parallel_loop3A_238 : vector<16xf32> to vector<1x16xf32>
          tpu.vector_store %arg17[%parallel_loop3A_239, %parallel_loop3A_240], %parallel_loop3A_243 {strides = array<i32>} : memref<80x64xf32, #tpu.memory_space<vmem>>, vector<1x16xf32>,
        } {sc.loop_unroll_factor = 4 : i64, sc.parallel_access}
        %add3A_129 = arith.constant 1 : i32
        %add3A_130 = arith.addi %mul3A_51, %add3A_129 : i32
        %dma_start3A_131 = arith.constant 0 : i32
        %dma_start3A_132 = tpu.memref_slice %arg11[%add3A_130, %dma_start3A_131] : memref<10x80xi32, #tpu.memory_space<vmem>> -> memref<1x80xi32, #tpu.memory_space<vmem>>
        %dma_start3A_133 = tpu.memref_squeeze %dma_start3A_132 : memref<1x80xi32, #tpu.memory_space<vmem>> -> memref<80xi32, #tpu.memory_space<vmem>>
        %dma_start3A_134 = arith.constant 0 : i32
        %dma_start3A_135 = arith.constant 0 : i32
        %dma_start3A_136 = tpu.memref_slice %arg19[%dma_start3A_134, %dma_start3A_135] : memref<10240x64xf32, #tpu.memory_space<vmem_shared>> -> memref<10240x64xf32, #tpu.memory_space<vmem_shared>>
        tpu.enqueue_indirect_dma source(%arg16 : memref<80x64xf32, #tpu.memory_space<vmem>>) target(%dma_start3A_136 : memref<10240x64xf32, #tpu.memory_space<vmem_shared>>) offsets(%dma_start3A_133 : memref<80xi32, #tpu.memory_space<vmem>>) semaphore(%arg23 : memref<!tpu.dma_semaphore, #tpu.memory_space<semaphore_mem>>) {add = true}
        %dma_start3A_137 = arith.constant 0 : i32
        %dma_start3A_138 = tpu.memref_slice %arg11[%add3A_130, %dma_start3A_137] : memref<10x80xi32, #tpu.memory_space<vmem>> -> memref<1x80xi32, #tpu.memory_space<vmem>>
        %dma_start3A_139 = tpu.memref_squeeze %dma_start3A_138 : memref<1x80xi32, #tpu.memory_space<vmem>> -> memref<80xi32, #tpu.memory_space<vmem>>
        %dma_start3A_140 = arith.constant 0 : i32
        %dma_start3A_141 = arith.constant 0 : i32
        %dma_start3A_142 = tpu.memref_slice %arg20[%dma_start3A_140, %dma_start3A_141] : memref<10240x64xf32, #tpu.memory_space<vmem_shared>> -> memref<10240x64xf32, #tpu.memory_space<vmem_shared>>
        tpu.enqueue_indirect_dma source(%arg17 : memref<80x64xf32, #tpu.memory_space<vmem>>) target(%dma_start3A_142 : memref<10240x64xf32, #tpu.memory_space<vmem_shared>>) offsets(%dma_start3A_139 : memref<80xi32, #tpu.memory_space<vmem>>) semaphore(%arg23 : memref<!tpu.dma_semaphore, #tpu.memory_space<semaphore_mem>>) {add = true}
      }
      %scan3A_48 = arith.constant 5 : i32
    }
    %scan3A_16 = arith.constant 25 : i32
    %dma_wait3A = arith.constant 0 : i32
    %dma_wait3A_17 = arith.constant 0 : i32
    %dma_wait3A_18 = tpu.memref_slice %arg4[%dma_wait3A, %dma_wait3A_17] : memref<10000x64xf32, #tpu.memory_space<hbm>> -> memref<80x64xf32, #tpu.memory_space<hbm>>
    %dma_wait3A_19 = arith.constant 0 : i32
    %dma_wait3A_20 = arith.constant 0 : i32
    %dma_wait3A_21 = tpu.memref_slice %arg4[%dma_wait3A_19, %dma_wait3A_20] : memref<10000x64xf32, #tpu.memory_space<hbm>> -> memref<80x64xf32, #tpu.memory_space<hbm>>
    tpu.wait_dma2 semaphore(%arg23 : memref<!tpu.dma_semaphore, #tpu.memory_space<semaphore_mem>>) src(%dma_wait3A_21 : memref<80x64xf32, #tpu.memory_space<hbm>>) dst(%arg16 : memref<80x64xf32, #tpu.memory_space<vmem>>)
    %dma_wait3A_22 = arith.constant 0 : i32
    %dma_wait3A_23 = arith.constant 0 : i32
    %dma_wait3A_24 = tpu.memref_slice %arg4[%dma_wait3A_22, %dma_wait3A_23] : memref<10000x64xf32, #tpu.memory_space<hbm>> -> memref<80x64xf32, #tpu.memory_space<hbm>>
    %dma_wait3A_25 = arith.constant 0 : i32
    %dma_wait3A_26 = arith.constant 0 : i32
    %dma_wait3A_27 = tpu.memref_slice %arg4[%dma_wait3A_25, %dma_wait3A_26] : memref<10000x64xf32, #tpu.memory_space<hbm>> -> memref<80x64xf32, #tpu.memory_space<hbm>>
    tpu.wait_dma2 semaphore(%arg23 : memref<!tpu.dma_semaphore, #tpu.memory_space<semaphore_mem>>) src(%dma_wait3A_27 : memref<80x64xf32, #tpu.memory_space<hbm>>) dst(%arg17 : memref<80x64xf32, #tpu.memory_space<vmem>>)
    %barrier3A_28 = arith.constant 0 : index
    tpu.barrier barrier_id(%barrier3A_28)
    %scan3A_29 = arith.constant 0 : i32
    %scan3A_30 = arith.constant 0 : i32
    %scan3A_31 = arith.constant 10 : i32
    %scan3A_32 = arith.addi %scan3A_30, %scan3A_31 : i32
    %scan3A_33 = arith.constant 1 : i32
    scf.for %scan3A_35 = %scan3A_30 to %scan3A_32 step %scan3A_33  : i32 {
      %mul3A = arith.constant 640 : i32
      %mul3A_36 = arith.muli %arg1, %mul3A : i32
      %mul3A_37 = arith.constant 64 : i32
      %mul3A_38 = arith.muli %scan3A_35, %mul3A_37 : i32
      %add3A = arith.addi %mul3A_36, %mul3A_38 : i32
      "tpu.region"() ({
        %run_scoped3A = tpu.sem_alloc : memref<!tpu.dma_semaphore, #tpu.memory_space<semaphore_mem>>
        %dma_start3A = arith.constant 0 : i32
        %dma_start3A_39 = tpu.memref_slice %arg8[%arg0, %add3A, %dma_start3A] : memref<2x10240x64xf32, #tpu.memory_space<hbm>> -> memref<1x64x64xf32, #tpu.memory_space<hbm>>
        %dma_start3A_40 = tpu.memref_squeeze %dma_start3A_39 : memref<1x64x64xf32, #tpu.memory_space<hbm>> -> memref<64x64xf32, #tpu.memory_space<hbm>>
        %dma_start3A_41 = arith.constant 0 : i32
        %dma_start3A_42 = tpu.memref_slice %arg19[%add3A, %dma_start3A_41] : memref<10240x64xf32, #tpu.memory_space<vmem_shared>> -> memref<64x64xf32, #tpu.memory_space<vmem_shared>>
        tpu.enqueue_dma source(%dma_start3A_42 : memref<64x64xf32, #tpu.memory_space<vmem_shared>>) target(%dma_start3A_40 : memref<64x64xf32, #tpu.memory_space<hbm>>) target_semaphore(%run_scoped3A : memref<!tpu.dma_semaphore, #tpu.memory_space<semaphore_mem>>)
        %dma_wait3A_43 = arith.constant 0 : i32
        %dma_wait3A_44 = tpu.memref_slice %arg8[%arg0, %add3A, %dma_wait3A_43] : memref<2x10240x64xf32, #tpu.memory_space<hbm>> -> memref<1x64x64xf32, #tpu.memory_space<hbm>>
        %dma_wait3A_45 = tpu.memref_squeeze %dma_wait3A_44 : memref<1x64x64xf32, #tpu.memory_space<hbm>> -> memref<64x64xf32, #tpu.memory_space<hbm>>
        %dma_wait3A_46 = arith.constant 0 : i32
        %dma_wait3A_47 = tpu.memref_slice %arg19[%add3A, %dma_wait3A_46] : memref<10240x64xf32, #tpu.memory_space<vmem_shared>> -> memref<64x64xf32, #tpu.memory_space<vmem_shared>>
        tpu.wait_dma2 semaphore(%run_scoped3A : memref<!tpu.dma_semaphore, #tpu.memory_space<semaphore_mem>>) src(%dma_wait3A_47 : memref<64x64xf32, #tpu.memory_space<vmem_shared>>) dst(%dma_wait3A_45 : memref<64x64xf32, #tpu.memory_space<hbm>>)
        tpu.yield
      }) : () -> ()
      "tpu.region"() ({
        %run_scoped3A = tpu.sem_alloc : memref<!tpu.dma_semaphore, #tpu.memory_space<semaphore_mem>>
        %dma_start3A = arith.constant 0 : i32
        %dma_start3A_39 = tpu.memref_slice %arg9[%arg0, %add3A, %dma_start3A] : memref<2x10240x64xf32, #tpu.memory_space<hbm>> -> memref<1x64x64xf32, #tpu.memory_space<hbm>>
        %dma_start3A_40 = tpu.memref_squeeze %dma_start3A_39 : memref<1x64x64xf32, #tpu.memory_space<hbm>> -> memref<64x64xf32, #tpu.memory_space<hbm>>
        %dma_start3A_41 = arith.constant 0 : i32
        %dma_start3A_42 = tpu.memref_slice %arg20[%add3A, %dma_start3A_41] : memref<10240x64xf32, #tpu.memory_space<vmem_shared>> -> memref<64x64xf32, #tpu.memory_space<vmem_shared>>
        tpu.enqueue_dma source(%dma_start3A_42 : memref<64x64xf32, #tpu.memory_space<vmem_shared>>) target(%dma_start3A_40 : memref<64x64xf32, #tpu.memory_space<hbm>>) target_semaphore(%run_scoped3A : memref<!tpu.dma_semaphore, #tpu.memory_space<semaphore_mem>>)
        %dma_wait3A_43 = arith.constant 0 : i32
        %dma_wait3A_44 = tpu.memref_slice %arg9[%arg0, %add3A, %dma_wait3A_43] : memref<2x10240x64xf32, #tpu.memory_space<hbm>> -> memref<1x64x64xf32, #tpu.memory_space<hbm>>
        %dma_wait3A_45 = tpu.memref_squeeze %dma_wait3A_44 : memref<1x64x64xf32, #tpu.memory_space<hbm>> -> memref<64x64xf32, #tpu.memory_space<hbm>>
        %dma_wait3A_46 = arith.constant 0 : i32
        %dma_wait3A_47 = tpu.memref_slice %arg20[%add3A, %dma_wait3A_46] : memref<10240x64xf32, #tpu.memory_space<vmem_shared>> -> memref<64x64xf32, #tpu.memory_space<vmem_shared>>
        tpu.wait_dma2 semaphore(%run_scoped3A : memref<!tpu.dma_semaphore, #tpu.memory_space<semaphore_mem>>) src(%dma_wait3A_47 : memref<64x64xf32, #tpu.memory_space<vmem_shared>>) dst(%dma_wait3A_45 : memref<64x64xf32, #tpu.memory_space<hbm>>)
        tpu.yield
      }) : () -> ()
    }
    %scan3A_34 = arith.constant 10 : i32
    return
  }
}

module attributes {stable_mosaic.version = 14 : i64} {
  func.func @_build_tables_body(%arg0: i32, %arg1: memref<1000x128xf32, #tpu.memory_space<vmem>>, %arg2: memref<128x128xf32, #tpu.memory_space<vmem>>, %arg3: memref<1x128xf32, #tpu.memory_space<vmem>>, %arg4: memref<1000x128xf32, #tpu.memory_space<vmem>>, %arg5: memref<1000x128xf32, #tpu.memory_space<vmem>>, %arg6: memref<1000x64xf32, #tpu.memory_space<vmem>>, %arg7: memref<1000x64xf32, #tpu.memory_space<vmem>>) attributes {dimension_semantics = [#tpu.dimension_semantics<arbitrary>], iteration_bounds = array<i64: 10>, scalar_prefetch = 0 : i64, scratch_operands = 0 : i64, tpu.core_type = #tpu.core_type<tc>, window_params = [{transform_indices = @transform_0, window_bounds = array<i64: 1000, 128>}, {pipeline_mode = #tpu.pipeline_mode<synchronous>, transform_indices = @transform_1, window_bounds = array<i64: 128, 128>}, {pipeline_mode = #tpu.pipeline_mode<synchronous>, transform_indices = @transform_2, window_bounds = array<i64: 1, 128>}, {transform_indices = @transform_3, window_bounds = array<i64: 1000, 128>}, {transform_indices = @transform_4, window_bounds = array<i64: 1000, 128>}, {transform_indices = @transform_5, window_bounds = array<i64: 1000, 64>}, {transform_indices = @transform_6, window_bounds = array<i64: 1000, 64>}]} {
    %get3A = arith.constant 0 : index
    %get3A_0 = arith.constant 0 : index
    %get3A_1 = vector.load %arg1[%get3A, %get3A_0] : memref<1000x128xf32, #tpu.memory_space<vmem>>, vector<1000x128xf32>
    %get3A_2 = arith.constant 0 : index
    %get3A_3 = arith.constant 0 : index
    %get3A_4 = vector.load %arg2[%get3A_2, %get3A_3] : memref<128x128xf32, #tpu.memory_space<vmem>>, vector<128x128xf32>
    %dot_general3A = arith.constant dense<0.000000e+00> : vector<1000x128xf32>
    %dot_general3A_5 = tpu.matmul %get3A_1, %get3A_4, %dot_general3A {dimension_numbers = #tpu.dot_dimension_numbers<[1], [0], [0], [1], [0, 0, 1, 1], [], []>, transpose_lhs_hint = false} : vector<1000x128xf32>, vector<128x128xf32>, vector<1000x128xf32> -> vector<1000x128xf32>
    %get3A_6 = arith.constant 0 : index
    %get3A_7 = arith.constant 0 : index
    %get3A_8 = vector.load %arg3[%get3A_6, %get3A_7] : memref<1x128xf32, #tpu.memory_space<vmem>>, vector<1x128xf32>
    %add3A = vector.broadcast %get3A_8 : vector<1x128xf32> to vector<1000x128xf32>
    %add3A_9 = arith.addf %dot_general3A_5, %add3A : vector<1000x128xf32>
    %max3A = arith.constant 0.000000e+00 : f32
    %max3A_10 = vector.broadcast %max3A : f32 to vector<1000x128xf32>
    %max3A_11 = arith.maximumf %add3A_9, %max3A_10 : vector<1000x128xf32>
    %slice3A = vector.extract_strided_slice %get3A_1 {offsets = [0, 0], sizes = [1000, 64], strides = [1, 1]} : vector<1000x128xf32> to vector<1000x64xf32>
    %slice3A_12 = vector.extract_strided_slice %max3A_11 {offsets = [0, 0], sizes = [1000, 64], strides = [1, 1]} : vector<1000x128xf32> to vector<1000x64xf32>
    %concatenate3A = tpu.concatenate %slice3A, %slice3A_12 in 1 : vector<1000x64xf32>, vector<1000x64xf32> -> vector<1000x128xf32>
    %swap3A = arith.constant 0 : index
    %swap3A_13 = arith.constant 0 : index
    %swap3A_14 = vector.load %arg4[%swap3A, %swap3A_13] : memref<1000x128xf32, #tpu.memory_space<vmem>>, vector<1000x128xf32>
    tpu.vector_store %arg4[%swap3A, %swap3A_13], %concatenate3A {strides = array<i32>} : memref<1000x128xf32, #tpu.memory_space<vmem>>, vector<1000x128xf32>,
    %slice3A_15 = vector.extract_strided_slice %get3A_1 {offsets = [0, 64], sizes = [1000, 64], strides = [1, 1]} : vector<1000x128xf32> to vector<1000x64xf32>
    %slice3A_16 = vector.extract_strided_slice %max3A_11 {offsets = [0, 64], sizes = [1000, 64], strides = [1, 1]} : vector<1000x128xf32> to vector<1000x64xf32>
    %concatenate3A_17 = tpu.concatenate %slice3A_15, %slice3A_16 in 1 : vector<1000x64xf32>, vector<1000x64xf32> -> vector<1000x128xf32>
    %swap3A_18 = arith.constant 0 : index
    %swap3A_19 = arith.constant 0 : index
    %swap3A_20 = vector.load %arg5[%swap3A_18, %swap3A_19] : memref<1000x128xf32, #tpu.memory_space<vmem>>, vector<1000x128xf32>
    tpu.vector_store %arg5[%swap3A_18, %swap3A_19], %concatenate3A_17 {strides = array<i32>} : memref<1000x128xf32, #tpu.memory_space<vmem>>, vector<1000x128xf32>,
    %slice3A_21 = vector.extract_strided_slice %get3A_1 {offsets = [0, 0], sizes = [1000, 64], strides = [1, 1]} : vector<1000x128xf32> to vector<1000x64xf32>
    %swap3A_22 = arith.constant 0 : index
    %swap3A_23 = arith.constant 0 : index
    %swap3A_24 = vector.load %arg6[%swap3A_22, %swap3A_23] : memref<1000x64xf32, #tpu.memory_space<vmem>>, vector<1000x64xf32>
    tpu.vector_store %arg6[%swap3A_22, %swap3A_23], %slice3A_21 {strides = array<i32>} : memref<1000x64xf32, #tpu.memory_space<vmem>>, vector<1000x64xf32>,
    %slice3A_25 = vector.extract_strided_slice %get3A_1 {offsets = [0, 64], sizes = [1000, 64], strides = [1, 1]} : vector<1000x128xf32> to vector<1000x64xf32>
    %swap3A_26 = arith.constant 0 : index
    %swap3A_27 = arith.constant 0 : index
    %swap3A_28 = vector.load %arg7[%swap3A_26, %swap3A_27] : memref<1000x64xf32, #tpu.memory_space<vmem>>, vector<1000x64xf32>
    tpu.vector_store %arg7[%swap3A_26, %swap3A_27], %slice3A_25 {strides = array<i32>} : memref<1000x64xf32, #tpu.memory_space<vmem>>, vector<1000x64xf32>,
    return
  }
  func.func @transform_0(%arg0: i32) -> (i32, i32) {
    %c0_i32 = arith.constant 0 : i32
    %c0_i32_0 = arith.constant 0 : i32
    return %arg0, %c0_i32 : i32, i32
  }
  func.func @transform_1(%arg0: i32) -> (i32, i32) {
    %c0_i32 = arith.constant 0 : i32
    %c0_i32_0 = arith.constant 0 : i32
    %c0_i32_1 = arith.constant 0 : i32
    return %c0_i32, %c0_i32_0 : i32, i32
  }
  func.func @transform_2(%arg0: i32) -> (i32, i32) {
    %c0_i32 = arith.constant 0 : i32
    %c0_i32_0 = arith.constant 0 : i32
    %c0_i32_1 = arith.constant 0 : i32
    return %c0_i32, %c0_i32_0 : i32, i32
  }
  func.func @transform_3(%arg0: i32) -> (i32, i32) {
    %c0_i32 = arith.constant 0 : i32
    %c0_i32_0 = arith.constant 0 : i32
    return %arg0, %c0_i32 : i32, i32
  }
  func.func @transform_4(%arg0: i32) -> (i32, i32) {
    %c0_i32 = arith.constant 0 : i32
    %c0_i32_0 = arith.constant 0 : i32
    return %arg0, %c0_i32 : i32, i32
  }
  func.func @transform_5(%arg0: i32) -> (i32, i32) {
    %c0_i32 = arith.constant 0 : i32
    %c0_i32_0 = arith.constant 0 : i32
    return %arg0, %c0_i32 : i32, i32
  }
  func.func @transform_6(%arg0: i32) -> (i32, i32) {
    %c0_i32 = arith.constant 0 : i32
    %c0_i32_0 = arith.constant 0 : i32
    return %arg0, %c0_i32 : i32, i32
  }
}

module attributes {stable_mosaic.version = 14 : i64} {
  func.func @_normalize_body(%arg0: i32, %arg1: memref<2x1000x64xf32, #tpu.memory_space<vmem>>, %arg2: memref<2x1000x64xf32, #tpu.memory_space<vmem>>, %arg3: memref<1000x128xf32, #tpu.memory_space<vmem>>) attributes {dimension_semantics = [#tpu.dimension_semantics<arbitrary>], iteration_bounds = array<i64: 10>, scalar_prefetch = 0 : i64, scratch_operands = 0 : i64, tpu.core_type = #tpu.core_type<tc>, window_params = [{transform_indices = @transform_0, window_bounds = array<i64: 2, 1000, 64>}, {transform_indices = @transform_1, window_bounds = array<i64: 2, 1000, 64>}, {transform_indices = @transform_2, window_bounds = array<i64: 1000, 128>}]} {
    %get3A = arith.constant 0 : index
    %get3A_0 = arith.constant 0 : index
    %get3A_1 = arith.constant 0 : index
    %get3A_2 = vector.load %arg1[%get3A, %get3A_0, %get3A_1] : memref<2x1000x64xf32, #tpu.memory_space<vmem>>, vector<1x1000x64xf32>
    %get3A_3 = vector.shape_cast %get3A_2 : vector<1x1000x64xf32> to vector<1000x64xf32>
    %get3A_4 = arith.constant 1 : index
    %get3A_5 = arith.constant 0 : index
    %get3A_6 = arith.constant 0 : index
    %get3A_7 = vector.load %arg1[%get3A_4, %get3A_5, %get3A_6] : memref<2x1000x64xf32, #tpu.memory_space<vmem>>, vector<1x1000x64xf32>
    %get3A_8 = vector.shape_cast %get3A_7 : vector<1x1000x64xf32> to vector<1000x64xf32>
    %get3A_9 = arith.constant 0 : index
    %get3A_10 = arith.constant 0 : index
    %get3A_11 = arith.constant 0 : index
    %get3A_12 = vector.load %arg2[%get3A_9, %get3A_10, %get3A_11] : memref<2x1000x64xf32, #tpu.memory_space<vmem>>, vector<1x1000x64xf32>
    %get3A_13 = vector.shape_cast %get3A_12 : vector<1x1000x64xf32> to vector<1000x64xf32>
    %get3A_14 = arith.constant 1 : index
    %get3A_15 = arith.constant 0 : index
    %get3A_16 = arith.constant 0 : index
    %get3A_17 = vector.load %arg2[%get3A_14, %get3A_15, %get3A_16] : memref<2x1000x64xf32, #tpu.memory_space<vmem>>, vector<1x1000x64xf32>
    %get3A_18 = vector.shape_cast %get3A_17 : vector<1x1000x64xf32> to vector<1000x64xf32>
    %gt3A = arith.constant 0.000000e+00 : f32
    %gt3A_19 = vector.broadcast %gt3A : f32 to vector<1000x64xf32>
    %gt3A_20 = arith.cmpf ogt, %get3A_3, %gt3A_19 : vector<1000x64xf32>
    %div3A = arith.divf %get3A_13, %get3A_3 : vector<1000x64xf32>
    %jit3A = arith.constant 0.000000e+00 : f32
    %broadcast_in_dim3A = vector.broadcast %jit3A : f32 to vector<1000x64xf32>
    %select_n3A = arith.select %gt3A_20, %div3A, %broadcast_in_dim3A : vector<1000x64xi1>, vector<1000x64xf32>
    %gt3A_21 = arith.constant 0.000000e+00 : f32
    %gt3A_22 = vector.broadcast %gt3A_21 : f32 to vector<1000x64xf32>
    %gt3A_23 = arith.cmpf ogt, %get3A_8, %gt3A_22 : vector<1000x64xf32>
    %div3A_24 = arith.divf %get3A_18, %get3A_8 : vector<1000x64xf32>
    %jit3A_25 = arith.constant 0.000000e+00 : f32
    %broadcast_in_dim3A_26 = vector.broadcast %jit3A_25 : f32 to vector<1000x64xf32>
    %select_n3A_27 = arith.select %gt3A_23, %div3A_24, %broadcast_in_dim3A_26 : vector<1000x64xi1>, vector<1000x64xf32>
    %concatenate3A = tpu.concatenate %select_n3A, %select_n3A_27 in 1 : vector<1000x64xf32>, vector<1000x64xf32> -> vector<1000x128xf32>
    %swap3A = arith.constant 0 : index
    %swap3A_28 = arith.constant 0 : index
    %swap3A_29 = vector.load %arg3[%swap3A, %swap3A_28] : memref<1000x128xf32, #tpu.memory_space<vmem>>, vector<1000x128xf32>
    tpu.vector_store %arg3[%swap3A, %swap3A_28], %concatenate3A {strides = array<i32>} : memref<1000x128xf32, #tpu.memory_space<vmem>>, vector<1000x128xf32>,
    return
  }
  func.func @transform_0(%arg0: i32) -> (i32, i32, i32) {
    %c0_i32 = arith.constant 0 : i32
    %c0_i32_0 = arith.constant 0 : i32
    %c0_i32_1 = arith.constant 0 : i32
    return %c0_i32, %arg0, %c0_i32_0 : i32, i32, i32
  }
  func.func @transform_1(%arg0: i32) -> (i32, i32, i32) {
    %c0_i32 = arith.constant 0 : i32
    %c0_i32_0 = arith.constant 0 : i32
    %c0_i32_1 = arith.constant 0 : i32
    return %c0_i32, %arg0, %c0_i32_0 : i32, i32, i32
  }
  func.func @transform_2(%arg0: i32) -> (i32, i32) {
    %c0_i32 = arith.constant 0 : i32
    %c0_i32_0 = arith.constant 0 : i32
    return %arg0, %c0_i32 : i32, i32
  }
}

</mosaic_0001>

<sc_bundles>
// kernel: kernel.5.cloned.1.call-start
scs
__scs_entry_jumppad:
0x0: {  	(pc) =	sbr.rel $0x88, $3  }
0x1: {  	(tag) =	ssettag $0x0;
	lr =	simm.s32 $0x1  }
0x2: {  	[smem:$0x3F9D] =	sst lr;
	_ =	strace $0xD0000000  }
0x3: {  	_ = 	snop  }
0x4: {  	_ = 	snop  }
0x5: {  	_ = 	snop  }
0x6: {  	_ = 	snop  }
0x7: {  	_ = 	snop  }
__scs_overlays_trampoline_lowered:
0x8: {  	[smem:$0x3FAC] =	sst s0  }
0x9: {  	[smem:$0x3FAD] =	sst s1  }
0xa: {  	[smem:$0x3FAE] =	sst s2  }
0xb: {  	[smem:$0x3FAF] =	sst s3  }
0xc: {  	[smem:$0x3FB0] =	sst s4  }
0xd: {  	[smem:$0x3FB1] =	sst s5  }
0xe: {  	[smem:$0x3FB2] =	sst s6  }
0xf: {  	[smem:$0x3FB3] =	sst s7  }
0x10: {  	[smem:$0x3FB4] =	sst s8  }
0x11: {  	[smem:$0x3FB5] =	sst s9;
	s0 =	simm.s32 @!p0 $0x0  }
0x12: {  	s1 =	sld [smem:$0x3F9B];
	s0 =	simm.s32 @p0 $0x1  }
0x13: {  	[smem:$0x3FB6] =	sst s0;
	s0 =	simm.s32 @!p1 $0x0  }
0x14: {  	s2 =	sld [smem:$0x3F9A];
	s0 =	simm.s32 @p1 $0x1  }
0x15: {  	[smem:$0x3FB7] =	sst s0;
	s0 =	simm.s32 @!p2 $0x0  }
0x16: {  	s3 =	sld [smem:$0x3FDB];
	s0 =	simm.s32 @p2 $0x1  }
0x17: {  	s4 =	simm.s32 $0x1BF5;
	[smem:$0x3FB9] =	sst s0  }
0x18: {  	s0 =	sld [smem:$0x3F9C];
	_ =	swait.ge [sflag:s4], $0x0  }
0x19: {  	s7 =	sld [smem:$0x3F9D]  }
0x1a: {  	s8 =	sadd.s32 $0xFFFFE003, lr  }
0x1b: {  	s9 =	sadd.s32 $0xFFFFFEF7, lr;
	s5 =	simm.s32 $0xFFFFFFFF;
	p2 =	slt.u32 s8, $0xFFFFF086  }
0x1c: {  	p1 =	slt.u32 s9, $0xF7A;
	s5 =	simm.s32 @!p2 $0x0  }
0x1d: {  	s5 =	simm.s32 @p1 $0x1;
	p0 =	seq.s32 s7, s2  }
0x1e: {  	s7 =	smul.u32 @!p0 $0xF7A, s2;
	p2 =	seq.s32 @!p0 s5, $0x0  }
0x1f: {  	s9 =	smul.u32 $0xF7A, s1;
	s8 =	simm.s32 @!p0 $0x1BF5;
	p2 =	por !p2, p0  }
0x20: {  	[sflag:s8] =	ssyncset.s32 @!p0 $0xFFFFF086;
	s6 =	sadd.s32 @!p0 s3, s7;
	s7 =	simm.s32 @!p0 $0x108  }
0x21: {  	s3 =	sadd.s32 s3, s9;
	s6 =	sadd.s32 @!p0 $0x88, s6;
	s7 =	simm.s32 @p2 $0x1082  }
0x22: {  	[simem:s7], [sflag:s8] =	dma.local @!p0 [hbm:s6], $0xF7A  }
0x23: {  	s9 =	sor.u32 $0xD0000000, s2;
	s6 =	simm.s32 $0x108;
	_ =	swait.ge @!p0 [sflag:s8], $0x0  }
0x24: {  	s3 =	sadd.s32 $0x88, s3;
	s6 =	simm.s32 @!p1 $0x1082;
	[sflag:s4] =	ssyncset.s32 $0xFFFFF086  }
0x25: {  	[simem:s6], [sflag:s4] =	dma.local [hbm:s3], $0xF7A  }
0x26: {  	[smem:$0x3F9D] =	sst s1;
	(tag) =	ssettag s2;
	_ =	strace s9  }
0x27: {  	s1 =	sld [smem:$0x3FAD]  }
0x28: {  	s2 =	sld [smem:$0x3FAE]  }
0x29: {  	s4 =	sld [smem:$0x3FB0]  }
0x2a: {  	p0 =	seq.s32 s5, $0x0;
	s5 =	sld [smem:$0x3FB1]  }
0x2b: {  	s6 =	sld [smem:$0x3FB2]  }
0x2c: {  	s7 =	sld [smem:$0x3FB3]  }
0x2d: {  	s3 =	simm.s32 $0x108;
	s8 =	sld [smem:$0x3FB4]  }
0x2e: {  	s3 =	simm.s32 @!p0 $0x1082;
	s9 =	sld [smem:$0x3FB5]  }
0x2f: {  	lr =	sadd.s32 s0, s3;
	s0 =	sld [smem:$0x3FAC]  }
0x30: {  	s3 =	sld [smem:$0x3FAF]  }
0x31: {  	[smem:$0x3FB8] =	sst s10  }
0x32: {  	s10 =	sld [smem:$0x3FB6];
	_ =	sdelay $0x3  }
0x33: {  	p0 =	seq.s32 s10, $0x1;
	s10 =	sld [smem:$0x3FB8];
	_ =	sdelay $0x3  }
0x34: {  	[smem:$0x3FB8] =	sst s10  }
0x35: {  	s10 =	sld [smem:$0x3FB7];
	_ =	sdelay $0x3  }
0x36: {  	p1 =	seq.s32 s10, $0x1;
	s10 =	sld [smem:$0x3FB8];
	_ =	sdelay $0x3  }
0x37: {  	[smem:$0x3FB8] =	sst s10  }
0x38: {  	s10 =	sld [smem:$0x3FB9]  }
0x39: {  	_ = 	snop;
	(pc) =	sbr.ind lr, $3  }
0x3a: {  	_ = 	snop  }
0x3b: {  	_ = 	snop  }
0x3c: {  	p2 =	seq.s32 s10, $0x1;
	s10 =	sld [smem:$0x3FB8]  }
0x3d: {  	_ =	shalt  }
0x3e: {  	_ =	shalt  }
0x3f: {  	_ =	shalt  }
0x40: {  	_ =	shalt  }
0x41: {  	_ =	shalt  }
0x42: {  	_ =	shalt  }
0x43: {  	_ =	shalt  }
0x44: {  	_ =	shalt  }
0x45: {  	_ =	shalt  }
0x46: {  	_ =	shalt  }
0x47: {  	_ =	shalt  }
0x48: {  	_ =	shalt  }
0x49: {  	_ =	shalt  }
0x4a: {  	_ =	shalt  }
0x4b: {  	_ =	shalt  }
0x4c: {  	_ =	shalt  }
0x4d: {  	_ =	shalt  }
0x4e: {  	_ =	shalt  }
0x4f: {  	_ =	shalt  }
0x50: {  	_ =	shalt  }
0x51: {  	_ =	shalt  }
0x52: {  	_ =	shalt  }
0x53: {  	_ =	shalt  }
0x54: {  	_ =	shalt  }
0x55: {  	_ =	shalt  }
0x56: {  	_ =	shalt  }
0x57: {  	_ =	shalt  }
0x58: {  	_ =	shalt  }
0x59: {  	_ =	shalt  }
0x5a: {  	_ =	shalt  }
0x5b: {  	_ =	shalt  }
0x5c: {  	_ =	shalt  }
0x5d: {  	_ =	shalt  }
0x5e: {  	_ =	shalt  }
0x5f: {  	_ =	shalt  }
0x60: {  	_ =	shalt  }
0x61: {  	_ =	shalt  }
0x62: {  	_ =	shalt  }
0x63: {  	_ =	shalt  }
0x64: {  	_ =	shalt  }
0x65: {  	_ =	shalt  }
0x66: {  	_ =	shalt  }
0x67: {  	_ =	shalt  }
0x68: {  	_ =	shalt  }
0x69: {  	_ =	shalt  }
0x6a: {  	_ =	shalt  }
0x6b: {  	_ =	shalt  }
0x6c: {  	_ =	shalt  }
0x6d: {  	_ =	shalt  }
0x6e: {  	_ =	shalt  }
0x6f: {  	_ =	shalt  }
0x70: {  	_ =	shalt  }
0x71: {  	_ =	shalt  }
0x72: {  	_ =	shalt  }
0x73: {  	_ =	shalt  }
0x74: {  	_ =	shalt  }
0x75: {  	_ =	shalt  }
0x76: {  	_ =	shalt  }
0x77: {  	_ =	shalt  }
0x78: {  	_ =	shalt  }
0x79: {  	_ =	shalt  }
0x7a: {  	_ =	shalt  }
0x7b: {  	_ =	shalt  }
0x7c: {  	_ =	shalt  }
0x7d: {  	_ =	shalt  }
0x7e: {  	_ =	shalt  }
0x7f: {  	_ =	shalt  }
0x80: {  	_ =	shalt  }
0x81: {  	_ =	shalt  }
0x82: {  	_ =	shalt  }
0x83: {  	_ =	shalt  }
0x84: {  	_ =	shalt  }
0x85: {  	_ =	shalt  }
0x86: {  	_ =	shalt  }
0x87: {  	_ =	shalt  }
.Lfunc_end0:
.L_simem_size_0:
called_computation_lowered:
.L_overlay_start_0:
0x88: {  	s2 =	sld [smem:$0x3FD9]  }
0x89: {  	s3 =	sld [smem:$0x3FFE];
	_ =	sdelay $0x1  }
0x8a: {  	s1 =	srdreg.scid  }
0x8b: {  	s0 =	sand.u32 $0x1, s1  }
0x8c: {  	s17 =	sshll.u32 s0, $0xA;
	s2 =	sadd.s32 s3, s2  }
0x8d: {  	s2 =	sadd.s32 s2, s17  }
0x8e: {  	[smem:$0x3FC4] =	sst s2  }
0x8f: {  	_ = 	snop  }
0x90: {  	s2 =	sld [smem:$0x3FD0];
	(tm) =	ssettm $0x1  }
0x91: {  	s18 =	sld [smem:$0x3FFB];
	_ =	sdelay $0x3  }
0x92: {  	_ =	strace s18  }
0x93: {  	s3 =	sld [smem:$0x3FFC];
	_ =	sdelay $0x3  }
0x94: {  	_ =	strace s3  }
0x95: {  	s3 =	sld [smem:$0x3FFD];
	_ =	sdelay $0x3  }
0x96: {  	_ =	strace s3  }
0x97: {  	_ =	strace $0x8FFFFFFF  }
0x98: {  	s19 =	sld [smem:$0x3FDB];
	_ =	sdelay $0x1  }
0x99: {  	s4 =	simm.s32 $_scs_section_size  }
0x9a: {  	s5 =	simm.s32 $_size__tile_overlayer_lowered;
	s6 =	simm.s32 $_tile_overlayer_lowered  }
0x9b: {  	s22 =	simm.s32 $0x1BFF;
	s21 =	sshll.u32 s6, $0x1;
	s3 =	sadd.s32 s4, s19  }
0x9c: {  	s7 =	simm.s32 $0x0;
	s20 =	sshll.u32 s5, $0x1;
	s5 =	sadd.s32 s21, s3  }
0x9d: {  	[timem:s7], [sflag:s22] =	dma.local [hbm:s5], s20  }
0x9e: {  	_ =	swait.ge [sflag:s22], s20  }
0x9f: {  	s4 =	ssub.s32 $0x0, s20;
	[sflag:s22] =	ssyncset.done $0x0  }
0xa0: {  	[sflag:s22] =	ssyncadd.s32 s4;
	_ =	sdelay $0x1  }
0xa1: {  	s23 =	simm.s32 $0x1B8B  }
0xa2: {  	_ =	swait.ge [sflag:s23], $0x1  }
0xa3: {  	[sflag:s23] =	ssyncset.done $0x0  }
0xa4: {  	s25 =	simm.s32 $0x1B8E;
	s24 =	sld [smem:$0x3FFE];
	[sflag:s23] =	ssyncadd.s32 $0xFFFFFFFF  }
0xa5: {  	s26 =	simm.s32 $execute0_lowered;
	[smem:$0x3FD2] =	sst s25  }
0xa6: {  	s5 =	sshll.u32 s26, $0x1;
	_ =	strace $0x80000046;
	[dreg:$0x1] =	wrdreg $0xFFFFFFFF  }
0xa7: {  	s28 =	simm.s32 $_size_execute0_lowered;
	s3 =	sadd.s32 s3, s5;
	[dreg:$0x0] =	wrdreg $0x0  }
0xa8: {  	s5 =	sshll.u32 s28, $0x1;
	[dreg:$0x2] =	wrdreg s3  }
0xa9: {  	[dreg:$0x3] =	wrdreg s5  }
0xaa: {  	[dreg:$0x4] =	wrdreg $0xC0  }
0xab: {  	_ =	task [dreg:s7], $0x5FFFF  }
0xac: {  	[dreg:$0x1] =	wrdreg $0xFFFFFFFF  }
0xad: {  	[dreg:$0x0] =	wrdreg $0x60  }
0xae: {  	[dreg:$0x2] =	wrdreg s2  }
0xaf: {  	[dreg:$0x3] =	wrdreg s24  }
0xb0: {  	[dreg:$0x4] =	wrdreg $0xB6400  }
0xb1: {  	[dreg:$0x5] =	wrdreg $0x156400  }
0xb2: {  	[dreg:$0x6] =	wrdreg $0x9  }
0xb3: {  	_ =	task.clear_ibuf [dreg:s7], $0x7FFFF;
	_ =	strace $0x90000046  }
0xb4: {  	s29 =	simm.s32 $0x9;
	_ =	strace $0x80000048  }
0xb5: {  	_ =	swait.ge [sflag:s29], $0x1  }
0xb6: {  	[sflag:s29] =	ssyncadd.s32 $0xFFFFFFFF  }
0xb7: {  	_ =	strace $0x90000048  }
0xb8: {  	_ =	sfence  }
0xb9: {  	s30 =	sld [smem:$0x0];
	_ =	sdelay $0x2  }
0xba: {  	s31 =	sshll.u32 s1, $0xD;
	s1 =	sshrl.u32 s1, $0x2  }
0xbb: {  	s3 =	sand.u32 $0x4000, s31;
	s1 =	sadd.s32 s1, s30  }
0xbc: {  	s0 =	sor.u32 s3, s0;
	s1 =	sshll.u32 s1, $0x11  }
0xbd: {  	s0 =	sor.u32 s1, s0  }
0xbe: {  	s0 =	sadd.s32 $0x8F2B, s0  }
0xbf: {  	[sflag:s0] =	ssyncadd.remote.s32 $0x1  }
0xc0: {  	_ =	sfence.sel $0xFFFF  }
0xc1: {  	[dreg:$0x0] =	wrdreg $0xFFFFFFFF;
	(pc) =	sbr.abs _section_cstart, $3  }
0xc2: {  	[dreg:$0x1] =	wrdreg $0xFFFFFFFF  }
0xc3: {  	_ =	task.clear_ibuf [dreg:s7], $0x2FFFF;
	_ =	strace $0x9FFFFFFF  }
0xc4: {  	(tm) =	ssettm $0x7FFFFFFF  }
0xc5: {  	_ =	shalt  }
tec
execute0_lowered:
.L_overlay_start_1:
0x0: {  	(tag) =	ssettag $0x1  }
0x1: {  	s0 =	srdreg.scid;
	s17 =	stileid.u32  }
0x2: {  	s1 =	rddreg [dreg:$0x1];
	s18 =	simm.s32 $0x0;
	s2 =	sand.u32 $0x1, s0  }
0x3: {  	s0 =	smul.u32 $0xA000, s17;
	[smem:$0x7FF] =	sst s18;
	s8 =	sadd.s32 $0x8AC00, s1  }
0x4: {  	s9 =	sadd.s32 $0x62C00, s1;
	s7 =	smul.u32 $0xA0000, s2;
	s3 =	ssub.s32 $0x2, s2  }
0x5: {  	p0 =	seq.s32 s2, $0x0;
	s5 =	sshrl.u32 s3, $0x1;
	s12 =	sor.u32 $0x1000, s0  }
0x6: {  	s6 =	sadd.s32 $0x2000, s0;
	s2 =	sadd.s32 $0x5000, s0;
	s4 =	sadd.s32 s7, s0  }
0x7: {  	s11 =	ssub.s32 s3, s5;
	s5 =	sadd.s32 $0x3000, s0;
	s10 =	sshrl.u32 s4, $0x3  }
0x8: {  	s13 =	sadd.s32 s7, s12;
	s14 =	sadd.s32 s7, s6;
	s21 =	sadd.s32 s8, s10  }
0x9: {  	s13 =	sshrl.u32 s13, $0x3;
	s10 =	sadd.s32 s9, s10;
	[dreg:$0x6] =	wrdreg s21  }
0xa: {  	s4 =	sadd.s32 $0x4000, s0;
	s22 =	sadd.s32 s8, s13;
	[dreg:$0x7] =	wrdreg s10  }
0xb: {  	s23 =	sshrl.u32 s14, $0x3;
	s13 =	sadd.s32 s9, s13;
	[dreg:$0x8] =	wrdreg s22  }
0xc: {  	s25 =	sadd.s32 s7, s5;
	s24 =	sadd.s32 s8, s23;
	[dreg:$0x9] =	wrdreg s13  }
0xd: {  	s26 =	sshrl.u32 s25, $0x3;
	[dreg:$0xa] =	wrdreg s24;
	s10 =	sadd.s32 s9, s23  }
0xe: {  	s15 =	sadd.s32 s7, s4;
	s16 =	sadd.s32 s8, s26;
	[dreg:$0xb] =	wrdreg s10  }
0xf: {  	s13 =	sshrl.u32 s15, $0x3;
	[dreg:$0xc] =	wrdreg s16;
	s10 =	sadd.s32 s9, s26  }
0x10: {  	s19 =	sadd.s32 s7, s2;
	s20 =	sadd.s32 s8, s13;
	[dreg:$0xd] =	wrdreg s10  }
0x11: {  	s21 =	sshrl.u32 s19, $0x3;
	s13 =	sadd.s32 s9, s13;
	[dreg:$0xe] =	wrdreg s20  }
0x12: {  	s3 =	sadd.s32 $0x6000, s0;
	s22 =	sadd.s32 s8, s21;
	[dreg:$0xf] =	wrdreg s13  }
0x13: {  	s14 =	sadd.s32 $0x8000, s0;
	s23 =	sadd.s32 s7, s3;
	[dreg:$0x10] =	wrdreg s22  }
0x14: {  	s24 =	sshrl.u32 s23, $0x3;
	s10 =	sadd.s32 s9, s21;
	s22 =	rddreg [dreg:$0x2]  }
0x15: {  	s16 =	sadd.s32 s7, s14;
	s15 =	sadd.s32 s8, s24;
	[dreg:$0x11] =	wrdreg s10  }
0x16: {  	s13 =	sadd.s32 $0x7000, s0;
	[dreg:$0x12] =	wrdreg s15;
	s10 =	sadd.s32 s9, s24  }
0x17: {  	s25 =	sadd.s32 s7, s13;
	s15 =	sshrl.u32 s16, $0x3;
	[dreg:$0x13] =	wrdreg s10  }
0x18: {  	s26 =	sshrl.u32 s25, $0x3;
	s20 =	sadd.s32 s9, s15;
	s25 =	rddreg [dreg:$0x3]  }
0x19: {  	s19 =	sadd.s32 s8, s26;
	[dreg:$0x17] =	wrdreg s20  }
0x1a: {  	s16 =	sadd.s32 $0x9000, s0;
	s10 =	sadd.s32 s9, s26;
	[dreg:$0x14] =	wrdreg s19  }
0x1b: {  	s23 =	sadd.s32 $0x14600, s1;
	s7 =	sadd.s32 s7, s16;
	[dreg:$0x15] =	wrdreg s10  }
0x1c: {  	s7 =	sshrl.u32 s7, $0x3;
	s19 =	sadd.s32 s8, s15;
	s10 =	rddreg [dreg:$0x0]  }
0x1d: {  	s21 =	sadd.s32 $0xA800, s1;
	s8 =	sadd.s32 s8, s7;
	[dreg:$0x16] =	wrdreg s19  }
0x1e: {  	s24 =	smax.u32 s11, $0x1;
	s7 =	sadd.s32 s9, s7;
	[dreg:$0x18] =	wrdreg s8  }
0x1f: {  	s26 =	sadd.s32 $0x4F200, s1;
	[dreg:$0x19] =	wrdreg s7;
	s7 =	sadd.s32 $0x3B800, s1  }
0x20: {  	s1 =	sadd.s32 $0xA00, s1;
	_ =	strace $0x80000047;
	[dreg:$0x1a] =	wrdreg s21  }
0x21: {  	s28 =	sadd.s32 s4, s22;
	s20 =	sadd.s32 s6, s25;
	[dreg:$0x1b] =	wrdreg s1  }
0x22: {  	s29 =	sadd.s32 s4, s25;
	s4 =	sadd.s32 s2, s25;
	[dreg:$0x1c] =	wrdreg s24  }
0x23: {  	s19 =	sadd.s32 s6, s22;
	s6 =	sadd.s32 s3, s25;
	[smem:$0x7EC] =	sst s4  }
0x24: {  	s8 =	sadd.s32 s14, s22;
	[smem:$0x7EE] =	sst s6  }
0x25: {  	s17 =	smul.u32 $0x19, s17;
	s9 =	sadd.s32 s16, s22;
	[smem:$0x7F0] =	sst s8  }
0x26: {  	[smem:$0x7F1] =	sst s9  }
0x27: {  	s23 =	smov.u32 @p0 s10;
	s10 =	sadd.s32 s0, s22;
	[smem:$0x7F2] =	sst s17  }
0x28: {  	s11 =	sadd.s32 s0, s25;
	[dreg:$0x1d] =	wrdreg s10  }
0x29: {  	s15 =	sadd.s32 s12, s22;
	[dreg:$0x1e] =	wrdreg s11  }
0x2a: {  	s12 =	sadd.s32 s12, s25;
	[dreg:$0x1f] =	wrdreg s15  }
0x2b: {  	[smem:$0x7F3] =	sst s12  }
0x2c: {  	[smem:$0x7F4] =	sst s19  }
0x2d: {  	[smem:$0x7F5] =	sst s20  }
0x2e: {  	[smem:$0x7F8] =	sst s28  }
0x2f: {  	s30 =	sadd.s32 s2, s22;
	[smem:$0x7F9] =	sst s29  }
0x30: {  	s31 =	simm.s32 $0x50;
	s14 =	sadd.s32 s14, s25;
	[smem:$0x7FA] =	sst s30  }
0x31: {  	s16 =	sadd.s32 s16, s25;
	s21 =	sadd.s32 s5, s22;
	[smem:$0x7FC] =	sst s14  }
0x32: {  	s24 =	sadd.s32 s5, s25;
	s5 =	sadd.s32 s3, s22;
	[smem:$0x7FD] =	sst s16  }
0x33: {  	s26 =	smov.u32 @p0 s7;
	s7 =	sadd.s32 s13, s22;
	[smem:$0x7ED] =	sst s5  }
0x34: {  	s2 =	simm.s32 $0x2E40;
	s13 =	sadd.s32 s13, s25;
	[smem:$0x7EF] =	sst s7  }
0x35: {  	s3 =	simm.s32 $0x6A40;
	s4 =	simm.s32 $0x1;
	[smem:$0x7F6] =	sst s21  }
0x36: {  	s6 =	simm.s32 $0x9240;
	s8 =	simm.s32 $0x3;
	[smem:$0x7F7] =	sst s24  }
0x37: {  	v0 =	vimm.f32 $0.0e+00;
	s5 =	simm.s32 $0x7E40;
	s7 =	simm.s32 $0x2;
	[smem:$0x7FB] =	sst s13  }
.LBB2_1:
0x38: {  	s0 =	simm.s32 $0xA680  }
0x39: {  	[tilespmem:s0+$0xFFFFFFC0] =	vst v0  }
0x3a: {  	[tilespmem:s0+$0x30] =	vst v0  }
0x3b: {  	[tilespmem:s0+$0x20] =	vst v0  }
0x3c: {  	[tilespmem:s0+$0x10] =	vst v0  }
0x3d: {  	[tilespmem:s0+$0x0] =	vst v0  }
0x3e: {  	[tilespmem:s0+$0xFFFFFFF0] =	vst v0  }
0x3f: {  	[dreg:$0x5] =	wrdreg s18;
	s1 =	simm.s32 $0x0;
	[tilespmem:s0+$0xFFFFFFE0] =	vst v0  }
.LBB2_2:
0x40: {  	s1 =	sadd.s32 $0x8, s1;
	[tilespmem:s0+$0xFFFFFFD0] =	vst v0;
	s0 =	sadd.s32 $0x80, s0  }
0x41: {  	[tilespmem:s0+$0xFFFFFFC0] =	vst v0;
	p0 =	slt.u32 s1, $0xF8  }
0x42: {  	[tilespmem:s0+$0x30] =	vst v0  }
.Ltmp0:
0x43: {  	[tilespmem:s0+$0x20] =	vst v0;
	(pc) =	sbr.rel @p0 .LBB2_2-.Ltmp0, $4  }
0x44: {  	[tilespmem:s0+$0x10] =	vst v0  }
0x45: {  	[tilespmem:s0+$0x0] =	vst v0  }
0x46: {  	[tilespmem:s0+$0xFFFFFFF0] =	vst v0  }
0x47: {  	[tilespmem:s0+$0xFFFFFFE0] =	vst v0  }
0x48: {  	[tilespmem:s0+$0xFFFFFFD0] =	vst v0;
	s1 =	simm.s32 $0xA640;
	s9 =	simm.s32 $0x4  }
0x49: {  	[spmem:s10] =	stream.linear.scatter [tilespmem:s1], [sflag:$0x4], $0x1000, $0x38;
	[tilespmem:$0x1F640] =	vst v63  }
0x4a: {  	_ =	swait.ge [sflag:s9], $0x1000  }
0x4b: {  	[sflag:s9] =	ssyncset.done $0x0  }
0x4c: {  	[sflag:s9] =	ssyncadd.s32 $0xFFFFF000  }
0x4d: {  	[spmem:s11] =	stream.linear.scatter [tilespmem:s1], [sflag:$0x4], $0x1000, $0x38;
	[tilespmem:$0x1F640] =	vst v63  }
0x4e: {  	_ =	swait.ge [sflag:s9], $0x1000  }
0x4f: {  	[sflag:s9] =	ssyncset.done $0x0  }
0x50: {  	[sflag:s9] =	ssyncadd.s32 $0xFFFFF000  }
0x51: {  	[spmem:s15] =	stream.linear.scatter [tilespmem:s1], [sflag:$0x4], $0x1000, $0x38;
	[tilespmem:$0x1F640] =	vst v63  }
0x52: {  	_ =	swait.ge [sflag:s9], $0x1000  }
0x53: {  	[sflag:s9] =	ssyncset.done $0x0  }
0x54: {  	[sflag:s9] =	ssyncadd.s32 $0xFFFFF000  }
0x55: {  	[spmem:s12] =	stream.linear.scatter [tilespmem:s1], [sflag:$0x4], $0x1000, $0x38;
	[tilespmem:$0x1F640] =	vst v63  }
0x56: {  	_ =	swait.ge [sflag:s9], $0x1000  }
0x57: {  	[sflag:s9] =	ssyncset.done $0x0  }
0x58: {  	[sflag:s9] =	ssyncadd.s32 $0xFFFFF000  }
0x59: {  	[spmem:s19] =	stream.linear.scatter [tilespmem:s1], [sflag:$0x4], $0x1000, $0x38;
	[tilespmem:$0x1F640] =	vst v63  }
0x5a: {  	_ =	swait.ge [sflag:s9], $0x1000  }
0x5b: {  	[sflag:s9] =	ssyncset.done $0x0  }
0x5c: {  	[sflag:s9] =	ssyncadd.s32 $0xFFFFF000  }
0x5d: {  	[spmem:s20] =	stream.linear.scatter [tilespmem:s1], [sflag:$0x4], $0x1000, $0x38;
	[tilespmem:$0x1F640] =	vst v63  }
0x5e: {  	_ =	swait.ge [sflag:s9], $0x1000  }
0x5f: {  	[sflag:s9] =	ssyncset.done $0x0  }
0x60: {  	[sflag:s9] =	ssyncadd.s32 $0xFFFFF000  }
0x61: {  	[spmem:s21] =	stream.linear.scatter [tilespmem:s1], [sflag:$0x4], $0x1000, $0x38;
	[tilespmem:$0x1F640] =	vst v63  }
0x62: {  	_ =	swait.ge [sflag:s9], $0x1000  }
0x63: {  	[sflag:s9] =	ssyncset.done $0x0  }
0x64: {  	[sflag:s9] =	ssyncadd.s32 $0xFFFFF000  }
0x65: {  	[spmem:s24] =	stream.linear.scatter [tilespmem:s1], [sflag:$0x4], $0x1000, $0x38;
	[tilespmem:$0x1F640] =	vst v63  }
0x66: {  	_ =	swait.ge [sflag:s9], $0x1000  }
0x67: {  	[sflag:s9] =	ssyncset.done $0x0  }
0x68: {  	[sflag:s9] =	ssyncadd.s32 $0xFFFFF000  }
0x69: {  	[spmem:s28] =	stream.linear.scatter [tilespmem:s1], [sflag:$0x4], $0x1000, $0x38;
	[tilespmem:$0x1F640] =	vst v63  }
0x6a: {  	_ =	swait.ge [sflag:s9], $0x1000  }
0x6b: {  	[sflag:s9] =	ssyncset.done $0x0  }
0x6c: {  	[sflag:s9] =	ssyncadd.s32 $0xFFFFF000  }
0x6d: {  	[spmem:s29] =	stream.linear.scatter [tilespmem:s1], [sflag:$0x4], $0x1000, $0x38;
	[tilespmem:$0x1F640] =	vst v63  }
0x6e: {  	_ =	swait.ge [sflag:s9], $0x1000  }
0x6f: {  	[sflag:s9] =	ssyncset.done $0x0  }
0x70: {  	[sflag:s9] =	ssyncadd.s32 $0xFFFFF000  }
0x71: {  	[spmem:s30] =	stream.linear.scatter [tilespmem:s1], [sflag:$0x4], $0x1000, $0x38;
	[tilespmem:$0x1F640] =	vst v63  }
0x72: {  	_ =	swait.ge [sflag:s9], $0x1000  }
0x73: {  	s20 =	sld [smem:$0x7EC]  }
0x74: {  	[sflag:s9] =	ssyncset.done $0x0  }
0x75: {  	[sflag:s9] =	ssyncadd.s32 $0xFFFFF000  }
0x76: {  	[spmem:s20] =	stream.linear.scatter [tilespmem:s1], [sflag:$0x4], $0x1000, $0x38;
	[tilespmem:$0x1F640] =	vst v63  }
0x77: {  	_ =	swait.ge [sflag:s9], $0x1000  }
0x78: {  	s21 =	sld [smem:$0x7ED]  }
0x79: {  	[sflag:s9] =	ssyncset.done $0x0  }
0x7a: {  	[sflag:s9] =	ssyncadd.s32 $0xFFFFF000  }
0x7b: {  	[spmem:s21] =	stream.linear.scatter [tilespmem:s1], [sflag:$0x4], $0x1000, $0x38;
	[tilespmem:$0x1F640] =	vst v63  }
0x7c: {  	_ =	swait.ge [sflag:s9], $0x1000  }
0x7d: {  	s24 =	sld [smem:$0x7EE]  }
0x7e: {  	[sflag:s9] =	ssyncset.done $0x0  }
0x7f: {  	[sflag:s9] =	ssyncadd.s32 $0xFFFFF000  }
0x80: {  	[spmem:s24] =	stream.linear.scatter [tilespmem:s1], [sflag:$0x4], $0x1000, $0x38;
	[tilespmem:$0x1F640] =	vst v63  }
0x81: {  	_ =	swait.ge [sflag:s9], $0x1000  }
0x82: {  	s28 =	sld [smem:$0x7EF]  }
0x83: {  	[sflag:s9] =	ssyncset.done $0x0  }
0x84: {  	[sflag:s9] =	ssyncadd.s32 $0xFFFFF000  }
0x85: {  	[spmem:s28] =	stream.linear.scatter [tilespmem:s1], [sflag:$0x4], $0x1000, $0x38;
	[tilespmem:$0x1F640] =	vst v63  }
0x86: {  	_ =	swait.ge [sflag:s9], $0x1000  }
0x87: {  	[sflag:s9] =	ssyncset.done $0x0  }
0x88: {  	[sflag:s9] =	ssyncadd.s32 $0xFFFFF000  }
0x89: {  	[spmem:s13] =	stream.linear.scatter [tilespmem:s1], [sflag:$0x4], $0x1000, $0x38;
	[tilespmem:$0x1F640] =	vst v63  }
0x8a: {  	_ =	swait.ge [sflag:s9], $0x1000  }
0x8b: {  	s29 =	sld [smem:$0x7F0]  }
0x8c: {  	[sflag:s9] =	ssyncset.done $0x0  }
0x8d: {  	[sflag:s9] =	ssyncadd.s32 $0xFFFFF000  }
0x8e: {  	[spmem:s29] =	stream.linear.scatter [tilespmem:s1], [sflag:$0x4], $0x1000, $0x38;
	[tilespmem:$0x1F640] =	vst v63  }
0x8f: {  	_ =	swait.ge [sflag:s9], $0x1000  }
0x90: {  	[sflag:s9] =	ssyncset.done $0x0  }
0x91: {  	[sflag:s9] =	ssyncadd.s32 $0xFFFFF000  }
0x92: {  	[spmem:s14] =	stream.linear.scatter [tilespmem:s1], [sflag:$0x4], $0x1000, $0x38;
	[tilespmem:$0x1F640] =	vst v63  }
0x93: {  	_ =	swait.ge [sflag:s9], $0x1000  }
0x94: {  	s30 =	sld [smem:$0x7F1]  }
0x95: {  	[sflag:s9] =	ssyncset.done $0x0  }
0x96: {  	[sflag:s9] =	ssyncadd.s32 $0xFFFFF000  }
0x97: {  	[spmem:s30] =	stream.linear.scatter [tilespmem:s1], [sflag:$0x4], $0x1000, $0x38;
	[tilespmem:$0x1F640] =	vst v63  }
0x98: {  	_ =	swait.ge [sflag:s9], $0x1000  }
0x99: {  	[sflag:s9] =	ssyncset.done $0x0  }
0x9a: {  	[sflag:s9] =	ssyncadd.s32 $0xFFFFF000  }
0x9b: {  	[spmem:s16] =	stream.linear.scatter [tilespmem:s1], [sflag:$0x4], $0x1000, $0x38;
	[tilespmem:$0x1F640] =	vst v63  }
0x9c: {  	_ =	swait.ge [sflag:s9], $0x1000  }
0x9d: {  	[sflag:s9] =	ssyncset.done $0x0  }
0x9e: {  	[sflag:s9] =	ssyncadd.s32 $0xFFFFF000  }
0x9f: {  	s10 =	simm.s32 $0x0;
	[bflag:$0x0] =	sbarrier.arrive $0xFFFF  }
.LBB2_4:
0xa0: {  	s0 =	sld [smem:$0x7F2];
	_ =	sdelay $0x2  }
0xa1: {  	s0 =	sadd.s32 s0, s10  }
0xa2: {  	s0 =	smul.u32 $0x64, s0  }
0xa3: {  	s1 =	rddreg [dreg:$0x1a]  }
0xa4: {  	s11 =	simm.s32 $0x0;
	s9 =	simm.s32 $0x4;
	s1 =	sadd.s32 s1, s0  }
0xa5: {  	[tilespmem:s11], [sflag:$0x4] =	stream.linear.gather [hbm4b:s1+s11], $0x320, $0x38;
	[tilespmem:$0x1F640] =	vst v63  }
0xa6: {  	_ =	swait.ge [sflag:s9], $0x320  }
0xa7: {  	[sflag:s9] =	ssyncset.done $0x0;
	s24 =	rddreg [dreg:$0x1b]  }
0xa8: {  	s28 =	simm.s32 $0x320;
	[sflag:s9] =	ssyncadd.s32 $0xFFFFFCE0;
	s0 =	sadd.s32 s24, s0  }
0xa9: {  	[tilespmem:s28], [sflag:$0x4] =	stream.linear.gather [hbm4b:s0+s11], $0x320, $0x38;
	[tilespmem:$0x1F640] =	vst v63  }
0xaa: {  	_ =	swait.ge [sflag:s9], $0x320  }
0xab: {  	[sflag:s9] =	ssyncset.done $0x0  }
0xac: {  	s29 =	simm.s32 $0x640;
	[sflag:s9] =	ssyncadd.s32 $0xFFFFFCE0  }
0xad: {  	[tilespmem:s29], [sflag:$0x1] =	stream.indirect.gather [hbm4b:s23+s31], $0x80, s11, s31, $0xb8;
	[tilespmem:$0x1F640] =	vst v63  }
0xae: {  	s30 =	simm.s32 $0x5640;
	s11 =	simm.s32 $0x0  }
0xaf: {  	[tilespmem:s30], [sflag:$0x1] =	stream.indirect.gather [hbm4b:s26+s31], $0x40, s28, s31, $0xb8;
	[tilespmem:$0x1F640] =	vst v63  }
.LBB2_5:
0xb0: {  	s12 =	sshllo.u32 s11, $0x1  }
0xb1: {  	s0 =	smul.u32 $0x50, s12;
	_ =	sdelay $0x1  }
0xb2: {  	[tilespmem:s2], [sflag:$0x2] =	stream.indirect.gather [hbm4b:s23+s31], $0x80, s0, s31, $0xb8;
	[tilespmem:$0x1F640] =	vst v63  }
0xb3: {  	s0 =	sadd.s32 $0x320, s0  }
0xb4: {  	[tilespmem:s3], [sflag:$0x2] =	stream.indirect.gather [hbm4b:s26+s31], $0x40, s0, s31, $0xb8;
	[tilespmem:$0x1F640] =	vst v63  }
0xb5: {  	_ =	swait.ge [sflag:s4], $0x2800  }
0xb6: {  	[sflag:s4] =	ssyncset.done $0x0  }
0xb7: {  	[sflag:s4] =	ssyncadd.s32 $0xFFFFD800  }
0xb8: {  	s21 =	sor.u32 s10, s11;
	_ =	swait.ge [sflag:s4], $0x1400  }
0xb9: {  	p0 =	seq.s32 s21, $0x0;
	[sflag:s4] =	ssyncset.done $0x0  }
0xba: {  	s0 =	simm.s32 @!p0 $0x3;
	[sflag:s4] =	ssyncadd.s32 $0xFFFFEC00  }
0xbb: {  	_ =	swait.ge @!p0 [sflag:s0], $0x1400  }
0xbc: {  	[sflag:s0] =	ssyncset.done @!p0 $0x0  }
0xbd: {  	[sflag:s0] =	ssyncadd.s32 @!p0 $0xFFFFEC00  }
0xbe: {  	_ =	swait.ge @!p0 [sflag:s0], $0x1400  }
0xbf: {  	[sflag:s0] =	ssyncset.done @!p0 $0x0  }
0xc0: {  	s24 =	simm.s32 $0x740;
	[sflag:s0] =	ssyncadd.s32 @!p0 $0xFFFFEC00  }
0xc1: {  	s9 =	simm.s32 $0x56C0;
	v1 =	vld [tilespmem:s24+$0x80]  }
0xc2: {  	v2 =	vld [tilespmem:s9+$0x40];
	_ =	sdelay $0x1  }
0xc3: {  	v3 =	vld [tilespmem:s9+$0xFFFFFF80]  }
0xc4: {  	v4 =	vld [tilespmem:s24+$0xFFFFFF80]  }
0xc5: {  	v5 =	vld [tilespmem:s9+$0xFFFFFFC0]  }
0xc6: {  	v6 =	vld [tilespmem:s24+$0x0];
	v1 =	vmul.f32 v2, v1  }
0xc7: {  	v2 =	vld [tilespmem:s9+$0x0]  }
0xc8: {  	v7 =	vld [tilespmem:s24+$0xFFFFFF00];
	v1 =	vmul.f32 $1.442695020e+00, v1;
	_ =	sdelay $0x1  }
0xc9: {  	(erf) = vpow2.f32 v1  }
0xca: {  	v1 =	vmul.f32 v5, v4  }
0xcb: {  	v2 =	vmul.f32 v2, v6  }
0xcc: {  	v3 =	vmul.f32 v3, v7;
	v1 =	vmul.f32 $1.442695020e+00, v1  }
0xcd: {  	v2 =	vmul.f32 $1.442695020e+00, v2  }
0xce: {  	(erf) = vpow2.f32 v1;
	v1 =	vmul.f32 $1.442695020e+00, v3  }
0xcf: {  	(erf) = vpow2.f32 v2  }
0xd0: {  	(erf) = vpow2.f32 v1;
	_ =	sdelay $0x1  }
0xd1: {  	s29 =	simm.s32 $0x7EC0;
	v1 =	vpop (erf)  }
0xd2: {  	[tilespmem:s29+$0x40] =	vst v1  }
0xd3: {  	v2 =	vld [tilespmem:s24+$0xC0];
	_ =	sdelay $0x2  }
0xd4: {  	v3 =	vpop (erf)  }
0xd5: {  	v4 =	vpop (erf)  }
0xd6: {  	[tilespmem:s29+$0xFFFFFFC0] =	vst v3;
	v1 =	vmul.f32 v1, v2;
	v2 =	vpop (erf)  }
0xd7: {  	s13 =	simm.s32 $0x92C0;
	v5 =	vld [tilespmem:s24+$0xFFFFFFC0];
	[tilespmem:s29+$0xFFFFFF80] =	vst v2  }
0xd8: {  	v6 =	vld [tilespmem:s24+$0xFFFFFF40];
	[tilespmem:s13+$0x40] =	vst v1  }
0xd9: {  	v1 =	vld [tilespmem:s24+$0x90]  }
0xda: {  	v7 =	vld [tilespmem:s9+$0x50];
	_ =	sdelay $0x1  }
0xdb: {  	v3 =	vmul.f32 v3, v5  }
0xdc: {  	[tilespmem:s29+$0x0] =	vst v4  }
0xdd: {  	v5 =	vld [tilespmem:s24+$0x40];
	[tilespmem:s13+$0xFFFFFFC0] =	vst v3;
	v2 =	vmul.f32 v2, v6  }
0xde: {  	v3 =	vld [tilespmem:s24+$0xFFFFFF90];
	v1 =	vmul.f32 v7, v1  }
0xdf: {  	v6 =	vld [tilespmem:s9+$0xFFFFFFD0];
	[tilespmem:s13+$0xFFFFFF80] =	vst v2  }
0xe0: {  	v1 =	vmul.f32 $1.442695020e+00, v1;
	v2 =	vld [tilespmem:s24+$0xFFFFFF10]  }
0xe1: {  	v7 =	vld [tilespmem:s9+$0xFFFFFF90]  }
0xe2: {  	(erf) = vpow2.f32 v1;
	v1 =	vmul.f32 v4, v5;
	_ =	sdelay $0x1  }
0xe3: {  	[tilespmem:s13+$0x0] =	vst v1  }
0xe4: {  	v1 =	vmul.f32 v6, v3;
	v3 =	vld [tilespmem:s24+$0x10]  }
0xe5: {  	v2 =	vmul.f32 v7, v2;
	v4 =	vld [tilespmem:s9+$0x10]  }
0xe6: {  	v1 =	vmul.f32 $1.442695020e+00, v1  }
0xe7: {  	v2 =	vmul.f32 $1.442695020e+00, v2  }
0xe8: {  	s30 =	simm.s32 $0x57C0;
	(erf) = vpow2.f32 v1  }
0xe9: {  	s14 =	simm.s32 $0x940;
	v5 =	vld [tilespmem:s30+$0x40];
	(erf) = vpow2.f32 v2  }
0xea: {  	v1 =	vld [tilespmem:s14+$0x80];
	v3 =	vmul.f32 v4, v3  }
0xeb: {  	v8 =	vld [tilespmem:s30+$0xFFFFFFC0];
	v2 =	vpop (erf)  }
0xec: {  	v10 =	vld [tilespmem:s14+$0xFFFFFF00];
	[tilespmem:s29+$0x50] =	vst v2;
	v3 =	vmul.f32 $1.442695020e+00, v3  }
0xed: {  	v4 =	vld [tilespmem:s24+$0xD0]  }
0xee: {  	v7 =	vld [tilespmem:s14+$0xFFFFFF80];
	(erf) = vpow2.f32 v3  }
0xef: {  	v1 =	vmul.f32 v5, v1;
	v5 =	vld [tilespmem:s30+$0x0]  }
0xf0: {  	v3 =	vld [tilespmem:s14+$0x0]  }
0xf1: {  	v6 =	vld [tilespmem:s30+$0xFFFFFF80];
	v9 =	vpop (erf)  }
0xf2: {  	v1 =	vmul.f32 $1.442695020e+00, v1;
	v2 =	vmul.f32 v2, v4;
	v4 =	vpop (erf)  }
0xf3: {  	[tilespmem:s29+$0xFFFFFF90] =	vst v4  }
0xf4: {  	(erf) = vpow2.f32 v1;
	v1 =	vld [tilespmem:s24+$0xFFFFFF50];
	[tilespmem:s13+$0x50] =	vst v2;
	v2 =	vmul.f32 v8, v7  }
0xf5: {  	v3 =	vmul.f32 v5, v3  }
0xf6: {  	v6 =	vmul.f32 v6, v10;
	v7 =	vld [tilespmem:s24+$0xA0];
	v2 =	vmul.f32 $1.442695020e+00, v2  }
0xf7: {  	[tilespmem:s29+$0xFFFFFFD0] =	vst v9;
	v5 =	vld [tilespmem:s9+$0x60];
	v3 =	vmul.f32 $1.442695020e+00, v3;
	v8 =	vpop (erf)  }
0xf8: {  	v10 =	vld [tilespmem:s24+$0xFFFFFFD0];
	(erf) = vpow2.f32 v2;
	v2 =	vmul.f32 $1.442695020e+00, v6;
	[tilespmem:s29+$0x10] =	vst v8  }
0xf9: {  	(erf) = vpow2.f32 v3;
	v3 =	vld [tilespmem:s24+$0x50];
	v1 =	vmul.f32 v4, v1;
	_ =	sdelay $0x1  }
0xfa: {  	(erf) = vpow2.f32 v2  }
0xfb: {  	v2 =	vmul.f32 v5, v7  }
0xfc: {  	s16 =	simm.s32 $0x7FC0;
	v5 =	vmul.f32 v9, v10;
	[tilespmem:s13+$0xFFFFFF90] =	vst v1;
	v1 =	vpop (erf)  }
0xfd: {  	v4 =	vld [tilespmem:s24+$0xFFFFFF20];
	v2 =	vmul.f32 $1.442695020e+00, v2;
	[tilespmem:s16+$0x40] =	vst v1;
	v3 =	vmul.f32 v8, v3  }
0xfe: {  	v6 =	vld [tilespmem:s14+$0xC0]  }
0xff: {  	v7 =	vld [tilespmem:s9+$0xFFFFFFA0];
	[tilespmem:s13+$0xFFFFFFD0] =	vst v5;
	(erf) = vpow2.f32 v2  }
0x100: {  	v5 =	vld [tilespmem:s9+$0xFFFFFFE0]  }
0x101: {  	v2 =	vld [tilespmem:s24+$0xFFFFFFA0];
	[tilespmem:s13+$0x10] =	vst v3;
	v3 =	vpop (erf)  }
0x102: {  	v8 =	vld [tilespmem:s24+$0x20];
	[tilespmem:s16+$0xFFFFFFC0] =	vst v3;
	v9 =	vpop (erf)  }
0x103: {  	v10 =	vld [tilespmem:s14+$0xFFFFFFC0];
	v1 =	vmul.f32 v1, v6;
	v6 =	vpop (erf)  }
0x104: {  	s15 =	simm.s32 $0x93C0;
	v11 =	vld [tilespmem:s9+$0x20];
	[tilespmem:s16+$0xFFFFFF80] =	vst v6  }
0x105: {  	v12 =	vld [tilespmem:s14+$0xFFFFFF40];
	[tilespmem:s15+$0x40] =	vst v1  }
0x106: {  	v1 =	vld [tilespmem:s14+$0x90]  }
0x107: {  	v13 =	vld [tilespmem:s30+$0x50]  }
0x108: {  	v4 =	vmul.f32 v7, v4;
	[tilespmem:s16+$0x0] =	vst v9;
	v7 =	vpop (erf);
	v3 =	vmul.f32 v3, v10  }
0x109: {  	v2 =	vmul.f32 v5, v2;
	[tilespmem:s29+$0x60] =	vst v7;
	v10 =	vld [tilespmem:s14+$0x40]  }
0x10a: {  	v4 =	vmul.f32 $1.442695020e+00, v4;
	v5 =	vld [tilespmem:s24+$0xE0];
	[tilespmem:s15+$0xFFFFFFC0] =	vst v3;
	v3 =	vmul.f32 v6, v12  }
0x10b: {  	v2 =	vmul.f32 $1.442695020e+00, v2;
	v6 =	vmul.f32 v11, v8;
	v8 =	vld [tilespmem:s14+$0xFFFFFF90]  }
0x10c: {  	(erf) = vpow2.f32 v4;
	v4 =	vld [tilespmem:s30+$0xFFFFFFD0];
	v1 =	vmul.f32 v13, v1;
	[tilespmem:s15+$0xFFFFFF80] =	vst v3  }
0x10d: {  	(erf) = vpow2.f32 v2;
	v2 =	vmul.f32 $1.442695020e+00, v6;
	v3 =	vld [tilespmem:s14+$0xFFFFFF10]  }
0x10e: {  	v6 =	vld [tilespmem:s30+$0xFFFFFF90];
	v1 =	vmul.f32 $1.442695020e+00, v1;
	v9 =	vmul.f32 v9, v10  }
0x10f: {  	(erf) = vpow2.f32 v2  }
0x110: {  	(erf) = vpow2.f32 v1;
	[tilespmem:s15+$0x0] =	vst v9  }
0x111: {  	v1 =	vld [tilespmem:s14+$0x10]  }
0x112: {  	s17 =	simm.s32 $0xB40;
	v2 =	vmul.f32 v7, v5;
	v4 =	vmul.f32 v4, v8;
	v5 =	vld [tilespmem:s30+$0x10]  }
0x113: {  	v15 =	vld [tilespmem:s17+$0x0];
	v3 =	vmul.f32 v6, v3  }
0x114: {  	s18 =	simm.s32 $0x58C0;
	v16 =	vld [tilespmem:s17+$0xFFFFFF00];
	[tilespmem:s13+$0x60] =	vst v2;
	v2 =	vmul.f32 $1.442695020e+00, v4  }
0x115: {  	v11 =	vld [tilespmem:s18+$0x40];
	v3 =	vmul.f32 $1.442695020e+00, v3  }
0x116: {  	v7 =	vld [tilespmem:s9+$0x70];
	v4 =	vpop (erf);
	(erf) = vpow2.f32 v2  }
0x117: {  	v6 =	vld [tilespmem:s24+$0xB0];
	v8 =	vpop (erf);
	v1 =	vmul.f32 v5, v1;
	(erf) = vpow2.f32 v3  }
0x118: {  	v9 =	vld [tilespmem:s17+$0x80];
	v5 =	vpop (erf)  }
0x119: {  	v13 =	vld [tilespmem:s17+$0xFFFFFF80];
	[tilespmem:s29+$0xFFFFFFA0] =	vst v4;
	v1 =	vmul.f32 $1.442695020e+00, v1;
	v10 =	vpop (erf)  }
0x11a: {  	v2 =	vld [tilespmem:s24+$0xFFFFFF60];
	[tilespmem:s16+$0x50] =	vst v10  }
0x11b: {  	[tilespmem:s29+$0xFFFFFFE0] =	vst v8;
	(erf) = vpow2.f32 v1;
	v12 =	vld [tilespmem:s14+$0xD0]  }
0x11c: {  	v3 =	vld [tilespmem:s24+$0xFFFFFFE0];
	v6 =	vmul.f32 v7, v6  }
0x11d: {  	v9 =	vmul.f32 v11, v9;
	v7 =	vld [tilespmem:s18+$0xFFFFFFC0]  }
0x11e: {  	v11 =	vld [tilespmem:s18+$0x0];
	v6 =	vmul.f32 $1.442695020e+00, v6  }
0x11f: {  	v9 =	vmul.f32 $1.442695020e+00, v9;
	v1 =	vld [tilespmem:s18+$0xFFFFFF80];
	v14 =	vpop (erf)  }
0x120: {  	(erf) = vpow2.f32 v6;
	[tilespmem:s16+$0xFFFFFFD0] =	vst v14;
	v10 =	vmul.f32 v10, v12;
	v12 =	vpop (erf)  }
0x121: {  	v2 =	vmul.f32 v4, v2;
	v3 =	vmul.f32 v8, v3;
	v8 =	vld [tilespmem:s14+$0xFFFFFFD0];
	[tilespmem:s16+$0xFFFFFF90] =	vst v12  }
0x122: {  	v7 =	vmul.f32 v7, v13;
	(erf) = vpow2.f32 v9;
	v6 =	vld [tilespmem:s14+$0xFFFFFF50];
	[tilespmem:s15+$0x50] =	vst v10  }
0x123: {  	v11 =	vmul.f32 v11, v15;
	v9 =	vld [tilespmem:s14+$0xA0]  }
0x124: {  	s20 =	simm.s32 $0xD40;
	[tilespmem:s13+$0xFFFFFFA0] =	vst v2;
	v7 =	vmul.f32 $1.442695020e+00, v7;
	v1 =	vmul.f32 v1, v16;
	v4 =	vld [tilespmem:s30+$0x60];
	v13 =	vpop (erf)  }
0x125: {  	v20 =	vld [tilespmem:s20+$0xFFFFFF80];
	v2 =	vmul.f32 $1.442695020e+00, v11;
	[tilespmem:s16+$0x10] =	vst v13  }
0x126: {  	(erf) = vpow2.f32 v7;
	v1 =	vmul.f32 $1.442695020e+00, v1;
	v7 =	vld [tilespmem:s14+$0x50]  }
0x127: {  	v11 =	vld [tilespmem:s24+$0xFFFFFF30];
	[tilespmem:s13+$0xFFFFFFE0] =	vst v3;
	(erf) = vpow2.f32 v2;
	v8 =	vmul.f32 v14, v8  }
0x128: {  	(erf) = vpow2.f32 v1;
	v1 =	vld [tilespmem:s24+$0xFFFFFFB0];
	v6 =	vmul.f32 v12, v6  }
0x129: {  	[tilespmem:s15+$0xFFFFFFD0] =	vst v8;
	v3 =	vmul.f32 v4, v9;
	v4 =	vld [tilespmem:s9+$0xFFFFFFB0]  }
0x12a: {  	v2 =	vpop (erf);
	v8 =	vld [tilespmem:s14+$0xFFFFFFA0];
	[tilespmem:s15+$0xFFFFFF90] =	vst v6  }
0x12b: {  	s1 =	simm.s32 $0x80C0;
	v9 =	vpop (erf);
	v6 =	vld [tilespmem:s14+$0xFFFFFF20];
	v3 =	vmul.f32 $1.442695020e+00, v3;
	v7 =	vmul.f32 v13, v7  }
0x12c: {  	[tilespmem:s1+$0x40] =	vst v9;
	v12 =	vld [tilespmem:s30+$0xFFFFFFA0]  }
0x12d: {  	v13 =	vld [tilespmem:s17+$0xC0];
	(erf) = vpow2.f32 v3  }
0x12e: {  	v3 =	vld [tilespmem:s9+$0xFFFFFFF0]  }
0x12f: {  	[tilespmem:s15+$0x10] =	vst v7;
	v4 =	vmul.f32 v4, v11;
	v11 =	vld [tilespmem:s30+$0xFFFFFFE0];
	v7 =	vpop (erf)  }
0x130: {  	v14 =	vld [tilespmem:s14+$0x20];
	[tilespmem:s1+$0xFFFFFFC0] =	vst v7  }
0x131: {  	v4 =	vmul.f32 $1.442695020e+00, v4;
	v42 =	vpop (erf);
	v15 =	vld [tilespmem:s17+$0xFFFFFFC0]  }
0x132: {  	v6 =	vmul.f32 v12, v6;
	v9 =	vmul.f32 v9, v13;
	v13 =	vld [tilespmem:s30+$0x20];
	[tilespmem:s1+$0x0] =	vst v42;
	v12 =	vpop (erf)  }
0x133: {  	s21 =	simm.s32 $0x94C0;
	v1 =	vmul.f32 v3, v1;
	[tilespmem:s1+$0xFFFFFF80] =	vst v12;
	v17 =	vld [tilespmem:s17+$0x40]  }
0x134: {  	(erf) = vpow2.f32 v4;
	v3 =	vmul.f32 $1.442695020e+00, v6;
	[tilespmem:s21+$0x40] =	vst v9;
	v4 =	vld [tilespmem:s17+$0xFFFFFF40]  }
0x135: {  	v6 =	vmul.f32 v11, v8;
	v8 =	vld [tilespmem:s17+$0x90];
	v1 =	vmul.f32 $1.442695020e+00, v1  }
0x136: {  	[tilespmem:s29+$0x20] =	vst v5;
	v11 =	vld [tilespmem:s18+$0x50];
	v9 =	vpop (erf);
	(erf) = vpow2.f32 v3;
	v7 =	vmul.f32 v7, v15  }
0x137: {  	v22 =	vld [tilespmem:s20+$0x0];
	[tilespmem:s16+$0x60] =	vst v9;
	(erf) = vpow2.f32 v1;
	v1 =	vmul.f32 $1.442695020e+00, v6  }
0x138: {  	v13 =	vmul.f32 v13, v14;
	v6 =	vld [tilespmem:s14+$0xE0];
	[tilespmem:s21+$0xFFFFFFC0] =	vst v7;
	v7 =	vmul.f32 v42, v17  }
0x139: {  	v10 =	vld [tilespmem:s24+$0x60];
	(erf) = vpow2.f32 v1;
	v1 =	vmul.f32 v12, v4  }
0x13a: {  	v4 =	vld [tilespmem:s17+$0xFFFFFF90];
	[tilespmem:s21+$0x0] =	vst v7  }
0x13b: {  	v12 =	vmul.f32 $1.442695020e+00, v13;
	v13 =	vld [tilespmem:s18+$0xFFFFFFD0];
	v7 =	vmul.f32 v11, v8;
	[tilespmem:s21+$0xFFFFFF80] =	vst v1  }
0x13c: {  	v8 =	vld [tilespmem:s17+$0xFFFFFF10]  }
0x13d: {  	v7 =	vmul.f32 $1.442695020e+00, v7;
	v6 =	vmul.f32 v9, v6;
	v9 =	vld [tilespmem:s18+$0xFFFFFF90]  }
0x13e: {  	v10 =	vmul.f32 v5, v10;
	v1 =	vld [tilespmem:s17+$0x10];
	(erf) = vpow2.f32 v12  }
0x13f: {  	v11 =	vld [tilespmem:s18+$0x10];
	v5 =	vpop (erf);
	(erf) = vpow2.f32 v7;
	[tilespmem:s15+$0x60] =	vst v6  }
0x140: {  	v7 =	vld [tilespmem:s14+$0xB0]  }
0x141: {  	v4 =	vmul.f32 v13, v4;
	v12 =	vld [tilespmem:s30+$0x70]  }
0x142: {  	v23 =	vld [tilespmem:s20+$0xFFFFFF00];
	[tilespmem:s13+$0x20] =	vst v10;
	v10 =	vpop (erf);
	v8 =	vmul.f32 v9, v8  }
0x143: {  	v14 =	vld [tilespmem:s24+$0x30];
	[tilespmem:s16+$0xFFFFFFA0] =	vst v10;
	v4 =	vmul.f32 $1.442695020e+00, v4  }
0x144: {  	v13 =	vld [tilespmem:s14+$0xFFFFFF60];
	v43 =	vmul.f32 $1.442695020e+00, v8  }
0x145: {  	v1 =	vmul.f32 v11, v1;
	v6 =	vpop (erf);
	v9 =	vld [tilespmem:s9+$0x30];
	(erf) = vpow2.f32 v4;
	s9 =	simm.s32 $0x59C0  }
0x146: {  	v15 =	vpop (erf);
	v18 =	vld [tilespmem:s9+$0x40];
	v12 =	vmul.f32 v12, v7;
	(erf) = vpow2.f32 v43  }
0x147: {  	v1 =	vmul.f32 $1.442695020e+00, v1;
	[tilespmem:s16+$0xFFFFFFE0] =	vst v15;
	v19 =	vld [tilespmem:s9+$0xFFFFFF80];
	v4 =	vpop (erf)  }
0x148: {  	v11 =	vld [tilespmem:s14+$0xFFFFFFE0];
	v12 =	vmul.f32 $1.442695020e+00, v12;
	v45 =	vpop (erf)  }
0x149: {  	(erf) = vpow2.f32 v1;
	v1 =	vld [tilespmem:s20+$0x80];
	[tilespmem:s1+$0x50] =	vst v45  }
0x14a: {  	(erf) = vpow2.f32 v12;
	v12 =	vld [tilespmem:s17+$0xD0]  }
0x14b: {  	v9 =	vmul.f32 v9, v14;
	v14 =	vld [tilespmem:s9+$0xFFFFFFC0]  }
0x14c: {  	v46 =	vld [tilespmem:s9+$0x0]  }
0x14d: {  	v10 =	vmul.f32 v10, v13;
	v9 =	vmul.f32 $1.442695020e+00, v9  }
0x14e: {  	[tilespmem:s29+$0x70] =	vst v2;
	v11 =	vmul.f32 v15, v11;
	v21 =	vpop (erf);
	v1 =	vmul.f32 v18, v1  }
0x14f: {  	v3 =	vld [tilespmem:s24+$0xF0];
	v15 =	vmul.f32 v19, v23;
	[tilespmem:s1+$0xFFFFFFD0] =	vst v21;
	v12 =	vmul.f32 v45, v12;
	v47 =	vpop (erf)  }
0x150: {  	v14 =	vmul.f32 v14, v20;
	v50 =	vld [tilespmem:s17+$0xFFFFFFD0];
	v1 =	vmul.f32 $1.442695020e+00, v1;
	[tilespmem:s1+$0xFFFFFF90] =	vst v47  }
0x151: {  	(erf) = vpow2.f32 v9;
	v18 =	vmul.f32 v46, v22;
	[tilespmem:s21+$0x50] =	vst v12;
	v12 =	vld [tilespmem:s17+$0xFFFFFF50]  }
0x152: {  	[tilespmem:s29+$0xFFFFFFB0] =	vst v5;
	v14 =	vmul.f32 $1.442695020e+00, v14;
	(erf) = vpow2.f32 v1;
	v1 =	vld [tilespmem:s17+$0xA0]  }
0x153: {  	[tilespmem:s15+$0xFFFFFFA0] =	vst v10;
	v10 =	vmul.f32 $1.442695020e+00, v18;
	v13 =	vld [tilespmem:s18+$0x60]  }
0x154: {  	v8 =	vld [tilespmem:s24+$0xFFFFFF70];
	[tilespmem:s16+$0x20] =	vst v4;
	v15 =	vmul.f32 $1.442695020e+00, v15;
	v9 =	vpop (erf);
	(erf) = vpow2.f32 v14  }
0x155: {  	v44 =	vld [tilespmem:s14+$0x60];
	[tilespmem:s1+$0x10] =	vst v9;
	(erf) = vpow2.f32 v10  }
0x156: {  	v48 =	vpop (erf);
	v14 =	vld [tilespmem:s17+$0x50];
	(erf) = vpow2.f32 v15;
	v15 =	vmul.f32 v21, v50  }
0x157: {  	v51 =	vld [tilespmem:s14+$0xFFFFFF30];
	[tilespmem:s15+$0xFFFFFFE0] =	vst v11  }
0x158: {  	v11 =	vld [tilespmem:s30+$0xFFFFFFB0];
	[tilespmem:s21+$0xFFFFFFD0] =	vst v15;
	v12 =	vmul.f32 v47, v12;
	v10 =	vmul.f32 v13, v1  }
0x159: {  	v15 =	vld [tilespmem:s17+$0xFFFFFFA0]  }
0x15a: {  	v1 =	vpop (erf);
	[tilespmem:s21+$0xFFFFFF90] =	vst v12;
	v12 =	vld [tilespmem:s14+$0xFFFFFFB0];
	v10 =	vmul.f32 $1.442695020e+00, v10  }
0x15b: {  	s28 =	simm.s32 $0x81C0;
	v9 =	vmul.f32 v9, v14;
	v13 =	vld [tilespmem:s17+$0xFFFFFF20];
	v52 =	vpop (erf)  }
0x15c: {  	v53 =	vld [tilespmem:s18+$0xFFFFFFA0];
	[tilespmem:s28+$0x40] =	vst v52;
	(erf) = vpow2.f32 v10  }
0x15d: {  	v14 =	vld [tilespmem:s20+$0xC0]  }
0x15e: {  	v11 =	vmul.f32 v11, v51;
	v10 =	vld [tilespmem:s30+$0xFFFFFFF0]  }
0x15f: {  	v54 =	vld [tilespmem:s18+$0xFFFFFFE0];
	[tilespmem:s21+$0x10] =	vst v9;
	v9 =	vpop (erf)  }
0x160: {  	v11 =	vmul.f32 $1.442695020e+00, v11;
	v55 =	vld [tilespmem:s17+$0x20];
	[tilespmem:s28+$0xFFFFFFC0] =	vst v9;
	v57 =	vpop (erf)  }
0x161: {  	[tilespmem:s29+$0xFFFFFFF0] =	vst v6;
	v56 =	vld [tilespmem:s20+$0xFFFFFFC0];
	v58 =	vpop (erf);
	v13 =	vmul.f32 v53, v13  }
0x162: {  	v59 =	vld [tilespmem:s18+$0x20];
	(erf) = vpow2.f32 v11;
	[tilespmem:s28+$0xFFFFFF80] =	vst v58;
	v14 =	vmul.f32 v52, v14  }
0x163: {  	s19 =	simm.s32 $0x95C0;
	[tilespmem:s28+$0x0] =	vst v57;
	v10 =	vmul.f32 v10, v12;
	v11 =	vld [tilespmem:s20+$0xFFFFFF40];
	v12 =	vmul.f32 $1.442695020e+00, v13  }
0x164: {  	v4 =	vmul.f32 v4, v44;
	v13 =	vld [tilespmem:s20+$0x40];
	[tilespmem:s19+$0x40] =	vst v14;
	v14 =	vmul.f32 v54, v15  }
0x165: {  	v7 =	vld [tilespmem:s24+$0xFFFFFFF0];
	v10 =	vmul.f32 $1.442695020e+00, v10;
	(erf) = vpow2.f32 v12;
	v15 =	vpop (erf)  }
0x166: {  	v9 =	vmul.f32 v9, v56;
	v12 =	vld [tilespmem:s20+$0x90];
	v14 =	vmul.f32 $1.442695020e+00, v14;
	[tilespmem:s1+$0x60] =	vst v15  }
0x167: {  	(erf) = vpow2.f32 v10;
	v10 =	vmul.f32 v59, v55;
	v61 =	vld [tilespmem:s17+$0xE0]  }
0x168: {  	[tilespmem:s15+$0x20] =	vst v4;
	v60 =	vld [tilespmem:s9+$0x50];
	v11 =	vmul.f32 v58, v11;
	(erf) = vpow2.f32 v14  }
0x169: {  	v2 =	vmul.f32 v2, v3;
	v4 =	vld [tilespmem:s14+$0x30];
	[tilespmem:s19+$0xFFFFFFC0] =	vst v9;
	v9 =	vmul.f32 v57, v13  }
0x16a: {  	v5 =	vmul.f32 v5, v8;
	v13 =	vld [tilespmem:s20+$0xFFFFFF90];
	v10 =	vmul.f32 $1.442695020e+00, v10;
	[tilespmem:s19+$0xFFFFFF80] =	vst v11  }
0x16b: {  	[tilespmem:s19+$0x0] =	vst v9;
	v9 =	vld [tilespmem:s9+$0xFFFFFFD0]  }
0x16c: {  	[tilespmem:s13+$0xFFFFFFB0] =	vst v5;
	(erf) = vpow2.f32 v10;
	v10 =	vld [tilespmem:s20+$0xFFFFFF10];
	v3 =	vmul.f32 v15, v61  }
0x16d: {  	[tilespmem:s16+$0x70] =	vst v48;
	v8 =	vld [tilespmem:s9+$0xFFFFFF90];
	v5 =	vmul.f32 v60, v12  }
0x16e: {  	[tilespmem:s13+$0x70] =	vst v2;
	v49 =	vld [tilespmem:s14+$0xF0];
	v2 =	vpop (erf)  }
0x16f: {  	v14 =	vld [tilespmem:s20+$0x10];
	v5 =	vmul.f32 $1.442695020e+00, v5;
	v62 =	vpop (erf)  }
0x170: {  	v6 =	vmul.f32 v6, v7;
	v15 =	vld [tilespmem:s9+$0x10];
	[tilespmem:s21+$0x60] =	vst v3;
	v3 =	vpop (erf)  }
0x171: {  	v7 =	vmul.f32 v9, v13;
	v63 =	vld [tilespmem:s17+$0xB0];
	v11 =	vpop (erf);
	(erf) = vpow2.f32 v5  }
0x172: {  	[tilespmem:s1+$0xFFFFFFA0] =	vst v62;
	v8 =	vmul.f32 v8, v10;
	v9 =	vld [tilespmem:s18+$0x70]  }
0x173: {  	[tilespmem:s13+$0xFFFFFFF0] =	vst v6;
	v13 =	vld [tilespmem:s17+$0xFFFFFF60];
	v7 =	vmul.f32 $1.442695020e+00, v7  }
0x174: {  	v10 =	vld [tilespmem:s30+$0x30];
	[tilespmem:s1+$0xFFFFFFE0] =	vst v11  }
0x175: {  	[tilespmem:s16+$0xFFFFFFB0] =	vst v2;
	v5 =	vmul.f32 v15, v14;
	(erf) = vpow2.f32 v7;
	v12 =	vld [tilespmem:s17+$0xFFFFFFE0]  }
0x176: {  	v6 =	vmul.f32 v48, v49;
	[tilespmem:s16+$0xFFFFFFF0] =	vst v3;
	v14 =	vmul.f32 $1.442695020e+00, v8;
	v8 =	vpop (erf);
	v7 =	vld [tilespmem:s14+$0xFFFFFF70]  }
0x177: {  	v15 =	vmul.f32 $1.442695020e+00, v5;
	[tilespmem:s1+$0x20] =	vst v8;
	v5 =	vld [tilespmem:s14+$0xFFFFFFF0];
	v17 =	vmul.f32 v9, v63  }
0x178: {  	[tilespmem:s29+$0x30] =	vst v1;
	(erf) = vpow2.f32 v14;
	v14 =	vmul.f32 v62, v13;
	v9 =	vld [tilespmem:s17+$0x60]  }
0x179: {  	s0 =	simm.s32 $0x59C0;
	s29 =	simm.s32 $0xF40;
	[tilespmem:s15+$0x70] =	vst v6;
	v6 =	vld [tilespmem:s24+$0x70];
	s30 =	simm.s32 $0xC;
	(erf) = vpow2.f32 v15;
	v13 =	vmul.f32 $1.442695020e+00, v17  }
.LBB2_6:
0x17a: {  	v15 =	vld [tilespmem:s29+$0x80];
	s9 =	sadd.s32 $0x100, s9;
	v16 =	vpop (erf);
	[tilespmem:s21+$0xFFFFFFA0] =	vst v14;
	v11 =	vmul.f32 v11, v12;
	v4 =	vmul.f32 v10, v4;
	s24 =	smov.u32 s20;
	s20 =	smov.u32 s29  }
0x17b: {  	v10 =	vld [tilespmem:s9+$0x40];
	[tilespmem:s28+$0x50] =	vst v16;
	(erf) = vpow2.f32 v13;
	v2 =	vmul.f32 v2, v7  }
0x17c: {  	v7 =	vld [tilespmem:s24+$0xD0];
	[tilespmem:s21+$0xFFFFFFE0] =	vst v11;
	v3 =	vmul.f32 v3, v5;
	v4 =	vmul.f32 $1.442695020e+00, v4  }
0x17d: {  	v5 =	vld [tilespmem:s9+$0xFFFFFF80];
	v8 =	vmul.f32 v8, v9;
	[tilespmem:s15+$0xFFFFFFB0] =	vst v2  }
0x17e: {  	s30 =	sadd.s32 $0x4, s30;
	v2 =	vld [tilespmem:s29+$0xFFFFFF80];
	v9 =	vpop (erf);
	[tilespmem:s15+$0xFFFFFFF0] =	vst v3;
	(erf) = vpow2.f32 v4;
	v1 =	vmul.f32 v1, v6  }
0x17f: {  	p0 =	slt.u32 s30, $0x4C;
	v3 =	vld [tilespmem:s9+$0xFFFFFFC0];
	[tilespmem:s28+$0xFFFFFFD0] =	vst v9  }
0x180: {  	v4 =	vld [tilespmem:s29+$0x0];
	v6 =	vmul.f32 v10, v15;
	[tilespmem:s21+$0x20] =	vst v8  }
0x181: {  	v8 =	vld [tilespmem:s9+$0x0];
	v7 =	vmul.f32 v16, v7;
	v10 =	vpop (erf);
	[tilespmem:s13+$0x30] =	vst v1;
	s13 =	smov.u32 s15;
	s15 =	smov.u32 s21;
	s21 =	smov.u32 s19  }
0x182: {  	v1 =	vld [tilespmem:s29+$0xFFFFFF00];
	v13 =	vmul.f32 $1.442695020e+00, v6;
	[tilespmem:s28+$0xFFFFFF90] =	vst v10;
	v11 =	vpop (erf)  }
0x183: {  	v12 =	vld [tilespmem:s24+$0xFFFFFF50];
	[tilespmem:s19+$0x50] =	vst v7  }
0x184: {  	v2 =	vmul.f32 v3, v2;
	(erf) = vpow2.f32 v13;
	[tilespmem:s28+$0x10] =	vst v11;
	v3 =	vld [tilespmem:s24+$0xA0];
	v6 =	vpop (erf)  }
0x185: {  	v7 =	vld [tilespmem:s0+$0x60];
	[tilespmem:s1+$0x70] =	vst v6  }
0x186: {  	v2 =	vmul.f32 $1.442695020e+00, v2;
	v4 =	vmul.f32 v8, v4;
	v8 =	vld [tilespmem:s17+$0xF0]  }
0x187: {  	v5 =	vmul.f32 v5, v1;
	v13 =	vld [tilespmem:s24+$0xFFFFFFD0];
	v1 =	vpop (erf)  }
0x188: {  	v4 =	vmul.f32 $1.442695020e+00, v4;
	(erf) = vpow2.f32 v2;
	v2 =	vld [tilespmem:s24+$0x50];
	[tilespmem:s16+$0x30] =	vst v1;
	s16 =	smov.u32 s1;
	s1 =	smov.u32 s28  }
0x189: {  	v10 =	vmul.f32 v10, v12;
	v5 =	vmul.f32 $1.442695020e+00, v5;
	v12 =	vld [tilespmem:s17+$0xFFFFFF30]  }
0x18a: {  	(erf) = vpow2.f32 v4;
	v3 =	vmul.f32 v7, v3;
	v4 =	vld [tilespmem:s18+$0xFFFFFFB0]  }
0x18b: {  	(erf) = vpow2.f32 v5;
	[tilespmem:s19+$0xFFFFFF90] =	vst v10;
	v5 =	vld [tilespmem:s17+$0xFFFFFFB0];
	v6 =	vmul.f32 v6, v8  }
0x18c: {  	v7 =	vld [tilespmem:s24+$0xFFFFFF20];
	v8 =	vmul.f32 v9, v13;
	v3 =	vmul.f32 $1.442695020e+00, v3  }
0x18d: {  	s28 =	sadd.s32 $0x100, s28;
	v9 =	vpop (erf);
	v10 =	vld [tilespmem:s0+$0xFFFFFFA0];
	v2 =	vmul.f32 v11, v2;
	[tilespmem:s15+$0x70] =	vst v6  }
0x18e: {  	[tilespmem:s28+$0x40] =	vst v9;
	(erf) = vpow2.f32 v3;
	v3 =	vld [tilespmem:s18+$0xFFFFFFF0]  }
0x18f: {  	v6 =	vld [tilespmem:s29+$0xC0];
	[tilespmem:s19+$0xFFFFFFD0] =	vst v8;
	v4 =	vmul.f32 v4, v12  }
0x190: {  	v8 =	vld [tilespmem:s24+$0xFFFFFFA0];
	[tilespmem:s19+$0x10] =	vst v2  }
0x191: {  	v2 =	vpop (erf);
	v11 =	vld [tilespmem:s0+$0xFFFFFFE0];
	v4 =	vmul.f32 $1.442695020e+00, v4  }
0x192: {  	[tilespmem:s28+$0xFFFFFFC0] =	vst v2;
	v7 =	vmul.f32 v10, v7;
	v10 =	vld [tilespmem:s24+$0x20]  }
0x193: {  	v12 =	vld [tilespmem:s29+$0xFFFFFFC0];
	v13 =	vpop (erf);
	v3 =	vmul.f32 v3, v5;
	(erf) = vpow2.f32 v4  }
0x194: {  	[tilespmem:s28+$0x0] =	vst v13;
	v4 =	vmul.f32 v9, v6;
	v5 =	vpop (erf);
	v6 =	vmul.f32 $1.442695020e+00, v7;
	v7 =	vld [tilespmem:s0+$0x20]  }
0x195: {  	s19 =	sadd.s32 $0x100, s19;
	[tilespmem:s28+$0xFFFFFF80] =	vst v5;
	v9 =	vld [tilespmem:s29+$0x40];
	v3 =	vmul.f32 $1.442695020e+00, v3  }
0x196: {  	v14 =	vld [tilespmem:s29+$0xFFFFFF40];
	[tilespmem:s19+$0x40] =	vst v4;
	v4 =	vmul.f32 v11, v8;
	(erf) = vpow2.f32 v6  }
0x197: {  	v6 =	vld [tilespmem:s29+$0x90];
	v8 =	vpop (erf);
	(erf) = vpow2.f32 v3  }
0x198: {  	v2 =	vmul.f32 v2, v12;
	v3 =	vld [tilespmem:s9+$0x50];
	v4 =	vmul.f32 $1.442695020e+00, v4;
	[tilespmem:s1+$0x60] =	vst v8  }
0x199: {  	v7 =	vmul.f32 v7, v10;
	v10 =	vld [tilespmem:s24+$0xE0]  }
0x19a: {  	[tilespmem:s19+$0xFFFFFFC0] =	vst v2;
	v12 =	vmul.f32 v13, v9;
	(erf) = vpow2.f32 v4;
	v4 =	vld [tilespmem:s17+$0x30]  }
0x19b: {  	v5 =	vmul.f32 v5, v14;
	v9 =	vld [tilespmem:s29+$0xFFFFFF90];
	v7 =	vmul.f32 $1.442695020e+00, v7  }
0x19c: {  	v11 =	vld [tilespmem:s9+$0xFFFFFFD0];
	[tilespmem:s19+$0x0] =	vst v12;
	v2 =	vpop (erf)  }
0x19d: {  	[tilespmem:s19+$0xFFFFFF80] =	vst v5;
	v5 =	vld [tilespmem:s29+$0x10];
	v14 =	vmul.f32 v3, v6;
	(erf) = vpow2.f32 v7  }
0x19e: {  	v6 =	vld [tilespmem:s29+$0xFFFFFF10];
	v7 =	vmul.f32 v8, v10;
	[tilespmem:s16+$0xFFFFFFB0] =	vst v2  }
0x19f: {  	v8 =	vld [tilespmem:s9+$0xFFFFFF90];
	v10 =	vmul.f32 $1.442695020e+00, v14;
	v13 =	vpop (erf)  }
0x1a0: {  	v12 =	vld [tilespmem:s9+$0x10];
	[tilespmem:s21+$0x60] =	vst v7;
	v3 =	vpop (erf)  }
0x1a1: {  	v7 =	vmul.f32 v11, v9;
	(erf) = vpow2.f32 v10;
	[tilespmem:s1+$0xFFFFFFA0] =	vst v13;
	v9 =	vld [tilespmem:s24+$0xB0]  }
0x1a2: {  	v14 =	vld [tilespmem:s0+$0x70];
	[tilespmem:s16+$0xFFFFFFF0] =	vst v3  }
0x1a3: {  	v7 =	vmul.f32 $1.442695020e+00, v7;
	v15 =	vld [tilespmem:s24+$0xFFFFFF60];
	v11 =	vpop (erf)  }
0x1a4: {  	v6 =	vmul.f32 v8, v6;
	[tilespmem:s1+$0xFFFFFFE0] =	vst v11;
	v10 =	vld [tilespmem:s18+$0x30];
	s18 =	smov.u32 s0;
	s0 =	smov.u32 s9  }
.Ltmp1:
0x1a5: {  	v5 =	vmul.f32 v12, v5;
	(erf) = vpow2.f32 v7;
	v12 =	vld [tilespmem:s24+$0xFFFFFFE0];
	(pc) =	sbr.rel @p0 .LBB2_6-.Ltmp1, $4  }
0x1a6: {  	v6 =	vmul.f32 $1.442695020e+00, v6;
	v8 =	vpop (erf);
	v7 =	vld [tilespmem:s17+$0xFFFFFF70]  }
0x1a7: {  	v16 =	vmul.f32 $1.442695020e+00, v5;
	[tilespmem:s1+$0x20] =	vst v8;
	v17 =	vmul.f32 v14, v9;
	v5 =	vld [tilespmem:s17+$0xFFFFFFF0]  }
0x1a8: {  	(erf) = vpow2.f32 v6;
	v14 =	vmul.f32 v13, v15;
	v9 =	vld [tilespmem:s24+$0x60]  }
0x1a9: {  	s29 =	sadd.s32 $0x200, s29;
	(erf) = vpow2.f32 v16;
	v13 =	vmul.f32 $1.442695020e+00, v17;
	v6 =	vld [tilespmem:s14+$0x70];
	s14 =	smov.u32 s17;
	s17 =	smov.u32 s24  }
0x1aa: {  	_ =	sdelay $0x2  }
0x1ab: {  	v15 =	vpop (erf)  }
0x1ac: {  	[tilespmem:s28+$0x50] =	vst v15  }
0x1ad: {  	v16 =	vld [tilespmem:s20+$0xD0]  }
0x1ae: {  	v17 =	vpop (erf)  }
0x1af: {  	[tilespmem:s28+$0xFFFFFFD0] =	vst v17;
	v25 =	vpop (erf)  }
0x1b0: {  	v21 =	vld [tilespmem:s20+$0xFFFFFFD0];
	[tilespmem:s28+$0xFFFFFF90] =	vst v25  }
0x1b1: {  	v11 =	vmul.f32 v11, v12;
	v18 =	vld [tilespmem:s20+$0xFFFFFF50]  }
0x1b2: {  	[tilespmem:s21+$0xFFFFFFA0] =	vst v14;
	v15 =	vmul.f32 v15, v16  }
0x1b3: {  	v26 =	vld [tilespmem:s17+$0xFFFFFF30];
	[tilespmem:s21+$0xFFFFFFE0] =	vst v11  }
0x1b4: {  	v11 =	vld [tilespmem:s18+$0xFFFFFFB0];
	v19 =	vpop (erf);
	[tilespmem:s19+$0x50] =	vst v15  }
0x1b5: {  	[tilespmem:s28+$0x10] =	vst v19;
	v15 =	vld [tilespmem:s20+$0xA0];
	v17 =	vmul.f32 v17, v21  }
0x1b6: {  	v12 =	vld [tilespmem:s20+$0x50];
	v14 =	vmul.f32 v25, v18  }
0x1b7: {  	v20 =	vld [tilespmem:s0+$0x60];
	[tilespmem:s19+$0xFFFFFFD0] =	vst v17  }
0x1b8: {  	v17 =	vld [tilespmem:s20+$0xFFFFFFA0];
	[tilespmem:s19+$0xFFFFFF90] =	vst v14  }
0x1b9: {  	v27 =	vld [tilespmem:s20+$0xFFFFFF20]  }
0x1ba: {  	v28 =	vld [tilespmem:s0+$0xFFFFFFA0]  }
0x1bb: {  	v4 =	vmul.f32 v10, v4;
	v10 =	vmul.f32 v19, v12;
	v12 =	vld [tilespmem:s18+$0xFFFFFFF0]  }
0x1bc: {  	v15 =	vmul.f32 v20, v15;
	v14 =	vld [tilespmem:s17+$0xFFFFFFB0]  }
0x1bd: {  	v4 =	vmul.f32 $1.442695020e+00, v4;
	(erf) = vpow2.f32 v13;
	[tilespmem:s19+$0x10] =	vst v10;
	v10 =	vld [tilespmem:s0+$0xFFFFFFE0]  }
0x1be: {  	v11 =	vmul.f32 v11, v26;
	v13 =	vmul.f32 $1.442695020e+00, v15;
	v15 =	vld [tilespmem:s20+$0x20]  }
0x1bf: {  	(erf) = vpow2.f32 v4;
	v29 =	vld [tilespmem:s0+$0x20];
	v4 =	vmul.f32 v28, v27  }
0x1c0: {  	v11 =	vmul.f32 $1.442695020e+00, v11;
	(erf) = vpow2.f32 v13  }
0x1c1: {  	v12 =	vmul.f32 v12, v14;
	v4 =	vmul.f32 $1.442695020e+00, v4  }
0x1c2: {  	(erf) = vpow2.f32 v11;
	v10 =	vmul.f32 v10, v17  }
0x1c3: {  	v11 =	vmul.f32 $1.442695020e+00, v12;
	(erf) = vpow2.f32 v4  }
0x1c4: {  	v4 =	vmul.f32 $1.442695020e+00, v10;
	v10 =	vmul.f32 v29, v15  }
0x1c5: {  	(erf) = vpow2.f32 v11  }
0x1c6: {  	(erf) = vpow2.f32 v4;
	v4 =	vmul.f32 $1.442695020e+00, v10;
	_ =	sdelay $0x2  }
0x1c7: {  	v10 =	vpop (erf);
	(erf) = vpow2.f32 v4  }
0x1c8: {  	v4 =	vpop (erf)  }
0x1c9: {  	v11 =	vpop (erf)  }
0x1ca: {  	[tilespmem:s28+$0x60] =	vst v11  }
0x1cb: {  	v13 =	vpop (erf);
	v12 =	vld [tilespmem:s20+$0xE0]  }
0x1cc: {  	v14 =	vpop (erf)  }
0x1cd: {  	v15 =	vpop (erf);
	[tilespmem:s28+$0xFFFFFFA0] =	vst v14  }
0x1ce: {  	v8 =	vmul.f32 v8, v9;
	v9 =	vld [tilespmem:s20+$0xFFFFFF60];
	v30 =	vpop (erf)  }
0x1cf: {  	[tilespmem:s28+$0xFFFFFFE0] =	vst v30  }
0x1d0: {  	[tilespmem:s21+$0x20] =	vst v8;
	v8 =	vmul.f32 v11, v12;
	v11 =	vld [tilespmem:s20+$0xFFFFFFE0];
	v12 =	vpop (erf)  }
0x1d1: {  	v31 =	vld [tilespmem:s17+$0x30];
	[tilespmem:s28+$0x20] =	vst v12  }
0x1d2: {  	[tilespmem:s19+$0x60] =	vst v8;
	v8 =	vld [tilespmem:s20+$0x60]  }
0x1d3: {  	v33 =	vld [tilespmem:s18+$0x30];
	v9 =	vmul.f32 v14, v9  }
0x1d4: {  	v32 =	vld [tilespmem:s20+$0xB0]  }
0x1d5: {  	v14 =	vld [tilespmem:s0+$0x70];
	[tilespmem:s19+$0xFFFFFFA0] =	vst v9;
	v9 =	vmul.f32 v30, v11  }
0x1d6: {  	v11 =	vld [tilespmem:s20+$0xFFFFFF30]  }
0x1d7: {  	[tilespmem:s19+$0xFFFFFFE0] =	vst v9;
	v8 =	vmul.f32 v12, v8;
	v9 =	vld [tilespmem:s0+$0xFFFFFFB0]  }
0x1d8: {  	v12 =	vld [tilespmem:s20+$0xFFFFFFB0]  }
0x1d9: {  	[tilespmem:s19+$0x20] =	vst v8;
	v8 =	vld [tilespmem:s0+$0xFFFFFFF0]  }
0x1da: {  	v14 =	vmul.f32 v14, v32;
	v34 =	vld [tilespmem:s20+$0x30]  }
0x1db: {  	v17 =	vmul.f32 v33, v31;
	v35 =	vld [tilespmem:s0+$0x30]  }
0x1dc: {  	v2 =	vmul.f32 v2, v7;
	v7 =	vmul.f32 $1.442695020e+00, v14  }
0x1dd: {  	v14 =	vmul.f32 $1.442695020e+00, v17;
	v9 =	vmul.f32 v9, v11  }
0x1de: {  	(erf) = vpow2.f32 v7;
	v7 =	vmul.f32 v8, v12  }
0x1df: {  	(erf) = vpow2.f32 v14;
	v8 =	vmul.f32 $1.442695020e+00, v9  }
0x1e0: {  	v9 =	vmul.f32 v35, v34;
	v7 =	vmul.f32 $1.442695020e+00, v7  }
0x1e1: {  	v3 =	vmul.f32 v3, v5;
	[tilespmem:s1+$0x70] =	vst v10;
	(erf) = vpow2.f32 v8  }
0x1e2: {  	v5 =	vld [tilespmem:s17+$0xF0];
	(erf) = vpow2.f32 v7;
	v7 =	vmul.f32 $1.442695020e+00, v9  }
0x1e3: {  	[tilespmem:s15+$0xFFFFFFB0] =	vst v2;
	v1 =	vmul.f32 v1, v6  }
0x1e4: {  	[tilespmem:s15+$0xFFFFFFF0] =	vst v3;
	(erf) = vpow2.f32 v7  }
0x1e5: {  	[tilespmem:s13+$0x30] =	vst v1  }
0x1e6: {  	[tilespmem:s16+$0x30] =	vst v4  }
0x1e7: {  	[tilespmem:s1+$0xFFFFFFB0] =	vst v13;
	v1 =	vmul.f32 v10, v5  }
0x1e8: {  	v2 =	vld [tilespmem:s17+$0xFFFFFF70];
	[tilespmem:s1+$0xFFFFFFF0] =	vst v15;
	v3 =	vpop (erf)  }
0x1e9: {  	[tilespmem:s21+$0x70] =	vst v1;
	v1 =	vld [tilespmem:s17+$0xFFFFFFF0];
	v5 =	vpop (erf)  }
0x1ea: {  	v6 =	vld [tilespmem:s14+$0x70];
	[tilespmem:s28+$0x70] =	vst v3;
	v7 =	vpop (erf)  }
0x1eb: {  	v8 =	vld [tilespmem:s20+$0xF0];
	[tilespmem:s28+$0xFFFFFFB0] =	vst v7;
	v9 =	vpop (erf)  }
0x1ec: {  	v10 =	vld [tilespmem:s20+$0xFFFFFF70];
	[tilespmem:s28+$0xFFFFFFF0] =	vst v9  }
0x1ed: {  	v2 =	vmul.f32 v13, v2;
	[tilespmem:s1+$0x30] =	vst v5;
	v11 =	vld [tilespmem:s20+$0xFFFFFFF0];
	v12 =	vpop (erf)  }
0x1ee: {  	v1 =	vmul.f32 v15, v1;
	v13 =	vld [tilespmem:s17+$0x70];
	[tilespmem:s28+$0x30] =	vst v12  }
0x1ef: {  	[tilespmem:s21+$0xFFFFFFB0] =	vst v2;
	v2 =	vmul.f32 v4, v6;
	v4 =	vld [tilespmem:s20+$0x70]  }
0x1f0: {  	[tilespmem:s21+$0xFFFFFFF0] =	vst v1;
	v1 =	vmul.f32 v3, v8  }
0x1f1: {  	[tilespmem:s15+$0x30] =	vst v2;
	v2 =	vmul.f32 v7, v10  }
0x1f2: {  	[tilespmem:s19+$0x70] =	vst v1;
	v1 =	vmul.f32 v9, v11  }
0x1f3: {  	s20 =	smul.u32 $0x280, s11;
	[tilespmem:s19+$0xFFFFFFB0] =	vst v2;
	v2 =	vmul.f32 v5, v13  }
0x1f4: {  	[tilespmem:s19+$0xFFFFFFF0] =	vst v1;
	v1 =	vmul.f32 v12, v4  }
0x1f5: {  	s0 =	sshra.s32 s20, $0x2;
	[tilespmem:s21+$0x30] =	vst v2  }
0x1f6: {  	p0 =	seq.s32 s11, $0x4;
	s0 =	sadd.s32 $0x320, s0;
	[tilespmem:s19+$0x30] =	vst v1  }
0x1f7: {  	[spmem:s22] =	stream.indirect.scatter.add.f32 [tilespmem:s5], [sflag:$0x3], $0x40, s0, s31, $0xb8;
	[tilespmem:$0x1F640] =	vst v63  }
0x1f8: {  	s1 =	smul.u32 @!p0 $0xA0, s11  }
0x1f9: {  	[spmem:s25] =	stream.indirect.scatter.add.f32 [tilespmem:s6], [sflag:$0x3], $0x40, s0, s31, $0xb8;
	[tilespmem:$0x1F640] =	vst v63  }
0x1fa: {  	s9 =	simm.s32 @!p0 $0x50;
	s13 =	simm.s32 @!p0 $0x640;
	s0 =	sadd.s32 @!p0 $0xA0, s1  }
0x1fb: {  	[tilespmem:s13], [sflag:$0x1] =	stream.indirect.gather @!p0 [hbm4b:s23+s9], $0x80, s0, s9, $0xb8;
	[tilespmem:$0x1F640] =	vst v63  }
0x1fc: {  	s0 =	sadd.s32 @!p0 $0x3C0, s1;
	s1 =	simm.s32 @!p0 $0x5640  }
0x1fd: {  	[tilespmem:s1], [sflag:$0x1] =	stream.indirect.gather @!p0 [hbm4b:s26+s9], $0x40, s0, s9, $0xb8;
	[tilespmem:$0x1F640] =	vst v63  }
0x1fe: {  	_ =	swait.ge [sflag:s7], $0x2800  }
0x1ff: {  	[sflag:s7] =	ssyncset.done $0x0  }
0x200: {  	[sflag:s7] =	ssyncadd.s32 $0xFFFFD800  }
0x201: {  	_ =	swait.ge [sflag:s7], $0x1400  }
0x202: {  	[sflag:s7] =	ssyncset.done $0x0  }
0x203: {  	[sflag:s7] =	ssyncadd.s32 $0xFFFFEC00  }
0x204: {  	_ =	swait.ge [sflag:s8], $0x1400  }
0x205: {  	[sflag:s8] =	ssyncset.done $0x0  }
0x206: {  	[sflag:s8] =	ssyncadd.s32 $0xFFFFEC00  }
0x207: {  	_ =	swait.ge [sflag:s8], $0x1400  }
0x208: {  	[sflag:s8] =	ssyncset.done $0x0  }
0x209: {  	s0 =	simm.s32 $0x2F40;
	[sflag:s8] =	ssyncadd.s32 $0xFFFFEC00  }
0x20a: {  	s24 =	simm.s32 $0x6AC0;
	v1 =	vld [tilespmem:s0+$0x80]  }
0x20b: {  	v2 =	vld [tilespmem:s24+$0x40];
	_ =	sdelay $0x1  }
0x20c: {  	v3 =	vld [tilespmem:s24+$0xFFFFFF80]  }
0x20d: {  	v4 =	vld [tilespmem:s0+$0xFFFFFF80]  }
0x20e: {  	v5 =	vld [tilespmem:s24+$0xFFFFFFC0]  }
0x20f: {  	v6 =	vld [tilespmem:s0+$0x0];
	v1 =	vmul.f32 v2, v1  }
0x210: {  	v2 =	vld [tilespmem:s24+$0x0]  }
0x211: {  	v7 =	vld [tilespmem:s0+$0xFFFFFF00];
	v1 =	vmul.f32 $1.442695020e+00, v1;
	_ =	sdelay $0x1  }
0x212: {  	(erf) = vpow2.f32 v1  }
0x213: {  	v1 =	vmul.f32 v5, v4  }
0x214: {  	v2 =	vmul.f32 v2, v6  }
0x215: {  	v3 =	vmul.f32 v3, v7;
	v1 =	vmul.f32 $1.442695020e+00, v1  }
0x216: {  	v2 =	vmul.f32 $1.442695020e+00, v2  }
0x217: {  	(erf) = vpow2.f32 v1;
	v1 =	vmul.f32 $1.442695020e+00, v3  }
0x218: {  	(erf) = vpow2.f32 v2  }
0x219: {  	(erf) = vpow2.f32 v1;
	_ =	sdelay $0x1  }
0x21a: {  	s29 =	simm.s32 $0x7EC0;
	v1 =	vpop (erf)  }
0x21b: {  	[tilespmem:s29+$0x40] =	vst v1  }
0x21c: {  	v2 =	vld [tilespmem:s0+$0xC0];
	_ =	sdelay $0x2  }
0x21d: {  	v3 =	vpop (erf)  }
0x21e: {  	v4 =	vpop (erf)  }
0x21f: {  	[tilespmem:s29+$0xFFFFFFC0] =	vst v3;
	v1 =	vmul.f32 v1, v2;
	v2 =	vpop (erf)  }
0x220: {  	s13 =	simm.s32 $0x92C0;
	v5 =	vld [tilespmem:s0+$0xFFFFFFC0];
	[tilespmem:s29+$0xFFFFFF80] =	vst v2  }
0x221: {  	v6 =	vld [tilespmem:s0+$0xFFFFFF40];
	[tilespmem:s13+$0x40] =	vst v1  }
0x222: {  	v1 =	vld [tilespmem:s0+$0x90]  }
0x223: {  	v7 =	vld [tilespmem:s24+$0x50];
	_ =	sdelay $0x1  }
0x224: {  	v3 =	vmul.f32 v3, v5  }
0x225: {  	[tilespmem:s29+$0x0] =	vst v4  }
0x226: {  	v5 =	vld [tilespmem:s0+$0x40];
	[tilespmem:s13+$0xFFFFFFC0] =	vst v3;
	v2 =	vmul.f32 v2, v6  }
0x227: {  	v3 =	vld [tilespmem:s0+$0xFFFFFF90];
	v1 =	vmul.f32 v7, v1  }
0x228: {  	v6 =	vld [tilespmem:s24+$0xFFFFFFD0];
	[tilespmem:s13+$0xFFFFFF80] =	vst v2  }
0x229: {  	v1 =	vmul.f32 $1.442695020e+00, v1;
	v2 =	vld [tilespmem:s0+$0xFFFFFF10]  }
0x22a: {  	v7 =	vld [tilespmem:s24+$0xFFFFFF90]  }
0x22b: {  	(erf) = vpow2.f32 v1;
	v1 =	vmul.f32 v4, v5;
	_ =	sdelay $0x1  }
0x22c: {  	[tilespmem:s13+$0x0] =	vst v1  }
0x22d: {  	v1 =	vmul.f32 v6, v3;
	v3 =	vld [tilespmem:s0+$0x10]  }
0x22e: {  	v2 =	vmul.f32 v7, v2;
	v4 =	vld [tilespmem:s24+$0x10]  }
0x22f: {  	v1 =	vmul.f32 $1.442695020e+00, v1  }
0x230: {  	v2 =	vmul.f32 $1.442695020e+00, v2  }
0x231: {  	s30 =	simm.s32 $0x6BC0;
	(erf) = vpow2.f32 v1  }
0x232: {  	s14 =	simm.s32 $0x3140;
	v5 =	vld [tilespmem:s30+$0x40];
	(erf) = vpow2.f32 v2  }
0x233: {  	v1 =	vld [tilespmem:s14+$0x80];
	v3 =	vmul.f32 v4, v3  }
0x234: {  	v8 =	vld [tilespmem:s30+$0xFFFFFFC0];
	v2 =	vpop (erf)  }
0x235: {  	v10 =	vld [tilespmem:s14+$0xFFFFFF00];
	[tilespmem:s29+$0x50] =	vst v2;
	v3 =	vmul.f32 $1.442695020e+00, v3  }
0x236: {  	v4 =	vld [tilespmem:s0+$0xD0]  }
0x237: {  	v7 =	vld [tilespmem:s14+$0xFFFFFF80];
	(erf) = vpow2.f32 v3  }
0x238: {  	v1 =	vmul.f32 v5, v1;
	v5 =	vld [tilespmem:s30+$0x0]  }
0x239: {  	v3 =	vld [tilespmem:s14+$0x0]  }
0x23a: {  	v6 =	vld [tilespmem:s30+$0xFFFFFF80];
	v9 =	vpop (erf)  }
0x23b: {  	v1 =	vmul.f32 $1.442695020e+00, v1;
	v2 =	vmul.f32 v2, v4;
	v4 =	vpop (erf)  }
0x23c: {  	[tilespmem:s29+$0xFFFFFF90] =	vst v4  }
0x23d: {  	(erf) = vpow2.f32 v1;
	v1 =	vld [tilespmem:s0+$0xFFFFFF50];
	[tilespmem:s13+$0x50] =	vst v2;
	v2 =	vmul.f32 v8, v7  }
0x23e: {  	v3 =	vmul.f32 v5, v3  }
0x23f: {  	v6 =	vmul.f32 v6, v10;
	v7 =	vld [tilespmem:s0+$0xA0];
	v2 =	vmul.f32 $1.442695020e+00, v2  }
0x240: {  	[tilespmem:s29+$0xFFFFFFD0] =	vst v9;
	v5 =	vld [tilespmem:s24+$0x60];
	v3 =	vmul.f32 $1.442695020e+00, v3;
	v8 =	vpop (erf)  }
0x241: {  	v10 =	vld [tilespmem:s0+$0xFFFFFFD0];
	(erf) = vpow2.f32 v2;
	v2 =	vmul.f32 $1.442695020e+00, v6;
	[tilespmem:s29+$0x10] =	vst v8  }
0x242: {  	(erf) = vpow2.f32 v3;
	v3 =	vld [tilespmem:s0+$0x50];
	v1 =	vmul.f32 v4, v1;
	_ =	sdelay $0x1  }
0x243: {  	(erf) = vpow2.f32 v2  }
0x244: {  	v2 =	vmul.f32 v5, v7  }
0x245: {  	s16 =	simm.s32 $0x7FC0;
	v5 =	vmul.f32 v9, v10;
	[tilespmem:s13+$0xFFFFFF90] =	vst v1;
	v1 =	vpop (erf)  }
0x246: {  	v4 =	vld [tilespmem:s0+$0xFFFFFF20];
	v2 =	vmul.f32 $1.442695020e+00, v2;
	[tilespmem:s16+$0x40] =	vst v1;
	v3 =	vmul.f32 v8, v3  }
0x247: {  	v6 =	vld [tilespmem:s14+$0xC0]  }
0x248: {  	v7 =	vld [tilespmem:s24+$0xFFFFFFA0];
	[tilespmem:s13+$0xFFFFFFD0] =	vst v5;
	(erf) = vpow2.f32 v2  }
0x249: {  	v5 =	vld [tilespmem:s24+$0xFFFFFFE0]  }
0x24a: {  	v2 =	vld [tilespmem:s0+$0xFFFFFFA0];
	[tilespmem:s13+$0x10] =	vst v3;
	v3 =	vpop (erf)  }
0x24b: {  	v8 =	vld [tilespmem:s0+$0x20];
	[tilespmem:s16+$0xFFFFFFC0] =	vst v3;
	v9 =	vpop (erf)  }
0x24c: {  	v10 =	vld [tilespmem:s14+$0xFFFFFFC0];
	v1 =	vmul.f32 v1, v6;
	v6 =	vpop (erf)  }
0x24d: {  	s15 =	simm.s32 $0x93C0;
	v11 =	vld [tilespmem:s24+$0x20];
	[tilespmem:s16+$0xFFFFFF80] =	vst v6  }
0x24e: {  	v12 =	vld [tilespmem:s14+$0xFFFFFF40];
	[tilespmem:s15+$0x40] =	vst v1  }
0x24f: {  	v1 =	vld [tilespmem:s14+$0x90]  }
0x250: {  	v13 =	vld [tilespmem:s30+$0x50]  }
0x251: {  	v4 =	vmul.f32 v7, v4;
	[tilespmem:s16+$0x0] =	vst v9;
	v7 =	vpop (erf);
	v3 =	vmul.f32 v3, v10  }
0x252: {  	v2 =	vmul.f32 v5, v2;
	[tilespmem:s29+$0x60] =	vst v7;
	v10 =	vld [tilespmem:s14+$0x40]  }
0x253: {  	v4 =	vmul.f32 $1.442695020e+00, v4;
	v5 =	vld [tilespmem:s0+$0xE0];
	[tilespmem:s15+$0xFFFFFFC0] =	vst v3;
	v3 =	vmul.f32 v6, v12  }
0x254: {  	v2 =	vmul.f32 $1.442695020e+00, v2;
	v6 =	vmul.f32 v11, v8;
	v8 =	vld [tilespmem:s14+$0xFFFFFF90]  }
0x255: {  	(erf) = vpow2.f32 v4;
	v4 =	vld [tilespmem:s30+$0xFFFFFFD0];
	v1 =	vmul.f32 v13, v1;
	[tilespmem:s15+$0xFFFFFF80] =	vst v3  }
0x256: {  	(erf) = vpow2.f32 v2;
	v2 =	vmul.f32 $1.442695020e+00, v6;
	v3 =	vld [tilespmem:s14+$0xFFFFFF10]  }
0x257: {  	v6 =	vld [tilespmem:s30+$0xFFFFFF90];
	v1 =	vmul.f32 $1.442695020e+00, v1;
	v9 =	vmul.f32 v9, v10  }
0x258: {  	(erf) = vpow2.f32 v2  }
0x259: {  	(erf) = vpow2.f32 v1;
	[tilespmem:s15+$0x0] =	vst v9  }
0x25a: {  	v1 =	vld [tilespmem:s14+$0x10]  }
0x25b: {  	s17 =	simm.s32 $0x3340;
	v2 =	vmul.f32 v7, v5;
	v4 =	vmul.f32 v4, v8;
	v5 =	vld [tilespmem:s30+$0x10]  }
0x25c: {  	v15 =	vld [tilespmem:s17+$0x0];
	v3 =	vmul.f32 v6, v3  }
0x25d: {  	s18 =	simm.s32 $0x6CC0;
	v36 =	vld [tilespmem:s17+$0xFFFFFF00];
	[tilespmem:s13+$0x60] =	vst v2;
	v2 =	vmul.f32 $1.442695020e+00, v4  }
0x25e: {  	v11 =	vld [tilespmem:s18+$0x40];
	v3 =	vmul.f32 $1.442695020e+00, v3  }
0x25f: {  	v7 =	vld [tilespmem:s24+$0x70];
	v4 =	vpop (erf);
	(erf) = vpow2.f32 v2  }
0x260: {  	v6 =	vld [tilespmem:s0+$0xB0];
	v8 =	vpop (erf);
	v1 =	vmul.f32 v5, v1;
	(erf) = vpow2.f32 v3  }
0x261: {  	v9 =	vld [tilespmem:s17+$0x80];
	v5 =	vpop (erf)  }
0x262: {  	v13 =	vld [tilespmem:s17+$0xFFFFFF80];
	[tilespmem:s29+$0xFFFFFFA0] =	vst v4;
	v1 =	vmul.f32 $1.442695020e+00, v1;
	v10 =	vpop (erf)  }
0x263: {  	v2 =	vld [tilespmem:s0+$0xFFFFFF60];
	[tilespmem:s16+$0x50] =	vst v10  }
0x264: {  	[tilespmem:s29+$0xFFFFFFE0] =	vst v8;
	(erf) = vpow2.f32 v1;
	v12 =	vld [tilespmem:s14+$0xD0]  }
0x265: {  	v3 =	vld [tilespmem:s0+$0xFFFFFFE0];
	v6 =	vmul.f32 v7, v6  }
0x266: {  	v9 =	vmul.f32 v11, v9;
	v7 =	vld [tilespmem:s18+$0xFFFFFFC0]  }
0x267: {  	v11 =	vld [tilespmem:s18+$0x0];
	v6 =	vmul.f32 $1.442695020e+00, v6  }
0x268: {  	v9 =	vmul.f32 $1.442695020e+00, v9;
	v1 =	vld [tilespmem:s18+$0xFFFFFF80];
	v14 =	vpop (erf)  }
0x269: {  	(erf) = vpow2.f32 v6;
	[tilespmem:s16+$0xFFFFFFD0] =	vst v14;
	v10 =	vmul.f32 v10, v12;
	v12 =	vpop (erf)  }
0x26a: {  	v2 =	vmul.f32 v4, v2;
	v3 =	vmul.f32 v8, v3;
	v8 =	vld [tilespmem:s14+$0xFFFFFFD0];
	[tilespmem:s16+$0xFFFFFF90] =	vst v12  }
0x26b: {  	v7 =	vmul.f32 v7, v13;
	(erf) = vpow2.f32 v9;
	v6 =	vld [tilespmem:s14+$0xFFFFFF50];
	[tilespmem:s15+$0x50] =	vst v10  }
0x26c: {  	v11 =	vmul.f32 v11, v15;
	v9 =	vld [tilespmem:s14+$0xA0]  }
0x26d: {  	s9 =	simm.s32 $0x6DC0;
	[tilespmem:s13+$0xFFFFFFA0] =	vst v2;
	v7 =	vmul.f32 $1.442695020e+00, v7;
	v1 =	vmul.f32 v1, v36;
	v4 =	vld [tilespmem:s30+$0x60];
	v13 =	vpop (erf)  }
0x26e: {  	v42 =	vld [tilespmem:s9+$0x40];
	v2 =	vmul.f32 $1.442695020e+00, v11;
	[tilespmem:s16+$0x10] =	vst v13  }
0x26f: {  	(erf) = vpow2.f32 v7;
	v1 =	vmul.f32 $1.442695020e+00, v1;
	v7 =	vld [tilespmem:s14+$0x50]  }
0x270: {  	v11 =	vld [tilespmem:s0+$0xFFFFFF30];
	[tilespmem:s13+$0xFFFFFFE0] =	vst v3;
	(erf) = vpow2.f32 v2;
	v8 =	vmul.f32 v14, v8  }
0x271: {  	(erf) = vpow2.f32 v1;
	v1 =	vld [tilespmem:s0+$0xFFFFFFB0];
	v6 =	vmul.f32 v12, v6  }
0x272: {  	[tilespmem:s15+$0xFFFFFFD0] =	vst v8;
	v3 =	vmul.f32 v4, v9;
	v4 =	vld [tilespmem:s24+$0xFFFFFFB0]  }
0x273: {  	v2 =	vpop (erf);
	v8 =	vld [tilespmem:s14+$0xFFFFFFA0];
	[tilespmem:s15+$0xFFFFFF90] =	vst v6  }
0x274: {  	s1 =	simm.s32 $0x80C0;
	v9 =	vpop (erf);
	v6 =	vld [tilespmem:s14+$0xFFFFFF20];
	v3 =	vmul.f32 $1.442695020e+00, v3;
	v7 =	vmul.f32 v13, v7  }
0x275: {  	[tilespmem:s1+$0x40] =	vst v9;
	v12 =	vld [tilespmem:s30+$0xFFFFFFA0]  }
0x276: {  	v13 =	vld [tilespmem:s17+$0xC0];
	(erf) = vpow2.f32 v3  }
0x277: {  	v3 =	vld [tilespmem:s24+$0xFFFFFFF0]  }
0x278: {  	[tilespmem:s15+$0x10] =	vst v7;
	v4 =	vmul.f32 v4, v11;
	v11 =	vld [tilespmem:s30+$0xFFFFFFE0];
	v7 =	vpop (erf)  }
0x279: {  	v14 =	vld [tilespmem:s14+$0x20];
	[tilespmem:s1+$0xFFFFFFC0] =	vst v7  }
0x27a: {  	v4 =	vmul.f32 $1.442695020e+00, v4;
	v37 =	vpop (erf);
	v15 =	vld [tilespmem:s17+$0xFFFFFFC0]  }
0x27b: {  	v6 =	vmul.f32 v12, v6;
	v9 =	vmul.f32 v9, v13;
	v13 =	vld [tilespmem:s30+$0x20];
	[tilespmem:s1+$0x0] =	vst v37;
	v12 =	vpop (erf)  }
0x27c: {  	s21 =	simm.s32 $0x94C0;
	v1 =	vmul.f32 v3, v1;
	[tilespmem:s1+$0xFFFFFF80] =	vst v12;
	v38 =	vld [tilespmem:s17+$0x40]  }
0x27d: {  	(erf) = vpow2.f32 v4;
	v3 =	vmul.f32 $1.442695020e+00, v6;
	[tilespmem:s21+$0x40] =	vst v9;
	v4 =	vld [tilespmem:s17+$0xFFFFFF40]  }
0x27e: {  	v6 =	vmul.f32 v11, v8;
	v8 =	vld [tilespmem:s17+$0x90];
	v1 =	vmul.f32 $1.442695020e+00, v1  }
0x27f: {  	[tilespmem:s29+$0x20] =	vst v5;
	v11 =	vld [tilespmem:s18+$0x50];
	v9 =	vpop (erf);
	(erf) = vpow2.f32 v3;
	v7 =	vmul.f32 v7, v15  }
0x280: {  	v43 =	vld [tilespmem:s9+$0xFFFFFF80];
	[tilespmem:s16+$0x60] =	vst v9;
	(erf) = vpow2.f32 v1;
	v1 =	vmul.f32 $1.442695020e+00, v6  }
0x281: {  	v13 =	vmul.f32 v13, v14;
	v6 =	vld [tilespmem:s14+$0xE0];
	[tilespmem:s21+$0xFFFFFFC0] =	vst v7;
	v7 =	vmul.f32 v37, v38  }
0x282: {  	v10 =	vld [tilespmem:s0+$0x60];
	(erf) = vpow2.f32 v1;
	v1 =	vmul.f32 v12, v4  }
0x283: {  	v4 =	vld [tilespmem:s17+$0xFFFFFF90];
	[tilespmem:s21+$0x0] =	vst v7  }
0x284: {  	v12 =	vmul.f32 $1.442695020e+00, v13;
	v13 =	vld [tilespmem:s18+$0xFFFFFFD0];
	v7 =	vmul.f32 v11, v8;
	[tilespmem:s21+$0xFFFFFF80] =	vst v1  }
0x285: {  	v8 =	vld [tilespmem:s17+$0xFFFFFF10]  }
0x286: {  	v7 =	vmul.f32 $1.442695020e+00, v7;
	v6 =	vmul.f32 v9, v6;
	v9 =	vld [tilespmem:s18+$0xFFFFFF90]  }
0x287: {  	v1 =	vld [tilespmem:s17+$0x10];
	(erf) = vpow2.f32 v12  }
0x288: {  	v10 =	vmul.f32 v5, v10;
	v11 =	vld [tilespmem:s18+$0x10];
	v5 =	vpop (erf);
	(erf) = vpow2.f32 v7;
	[tilespmem:s15+$0x60] =	vst v6  }
0x289: {  	v7 =	vld [tilespmem:s14+$0xB0]  }
0x28a: {  	s20 =	simm.s32 $0x3540;
	v4 =	vmul.f32 v13, v4;
	v12 =	vld [tilespmem:s30+$0x70]  }
0x28b: {  	v44 =	vld [tilespmem:s20+$0xFFFFFF80];
	v8 =	vmul.f32 v9, v8  }
0x28c: {  	v22 =	vld [tilespmem:s20+$0x0];
	v4 =	vmul.f32 $1.442695020e+00, v4  }
0x28d: {  	v46 =	vld [tilespmem:s9+$0x0];
	[tilespmem:s13+$0x20] =	vst v10;
	v10 =	vpop (erf);
	v39 =	vmul.f32 $1.442695020e+00, v8  }
0x28e: {  	v14 =	vld [tilespmem:s0+$0x30];
	v1 =	vmul.f32 v11, v1;
	v6 =	vpop (erf);
	(erf) = vpow2.f32 v4  }
0x28f: {  	[tilespmem:s16+$0xFFFFFFA0] =	vst v10;
	v15 =	vpop (erf);
	v9 =	vld [tilespmem:s24+$0x30];
	v12 =	vmul.f32 v12, v7;
	(erf) = vpow2.f32 v39  }
0x290: {  	v13 =	vld [tilespmem:s14+$0xFFFFFF60];
	v1 =	vmul.f32 $1.442695020e+00, v1;
	[tilespmem:s16+$0xFFFFFFE0] =	vst v15;
	v4 =	vpop (erf)  }
0x291: {  	v11 =	vld [tilespmem:s14+$0xFFFFFFE0];
	v12 =	vmul.f32 $1.442695020e+00, v12;
	v41 =	vpop (erf)  }
0x292: {  	(erf) = vpow2.f32 v1;
	v1 =	vld [tilespmem:s20+$0x80];
	[tilespmem:s1+$0x50] =	vst v41  }
0x293: {  	(erf) = vpow2.f32 v12;
	v12 =	vld [tilespmem:s17+$0xD0]  }
0x294: {  	v9 =	vmul.f32 v9, v14;
	v14 =	vld [tilespmem:s9+$0xFFFFFFC0]  }
0x295: {  	v23 =	vld [tilespmem:s20+$0xFFFFFF00]  }
0x296: {  	v18 =	vmul.f32 v46, v22;
	v10 =	vmul.f32 v10, v13  }
0x297: {  	[tilespmem:s29+$0x70] =	vst v2;
	v9 =	vmul.f32 $1.442695020e+00, v9;
	v45 =	vpop (erf);
	v1 =	vmul.f32 v42, v1  }
0x298: {  	v3 =	vld [tilespmem:s0+$0xF0];
	v11 =	vmul.f32 v15, v11;
	[tilespmem:s1+$0xFFFFFFD0] =	vst v45;
	v12 =	vmul.f32 v41, v12;
	v47 =	vpop (erf)  }
0x299: {  	v14 =	vmul.f32 v14, v44;
	v50 =	vld [tilespmem:s17+$0xFFFFFFD0];
	v1 =	vmul.f32 $1.442695020e+00, v1;
	[tilespmem:s1+$0xFFFFFF90] =	vst v47  }
0x29a: {  	v15 =	vmul.f32 v43, v23;
	(erf) = vpow2.f32 v9;
	[tilespmem:s21+$0x50] =	vst v12;
	v12 =	vld [tilespmem:s17+$0xFFFFFF50]  }
0x29b: {  	[tilespmem:s29+$0xFFFFFFB0] =	vst v5;
	v14 =	vmul.f32 $1.442695020e+00, v14;
	(erf) = vpow2.f32 v1;
	v1 =	vld [tilespmem:s17+$0xA0]  }
0x29c: {  	[tilespmem:s15+$0xFFFFFFA0] =	vst v10;
	v10 =	vmul.f32 $1.442695020e+00, v18;
	v13 =	vld [tilespmem:s18+$0x60]  }
0x29d: {  	v8 =	vld [tilespmem:s0+$0xFFFFFF70];
	[tilespmem:s16+$0x20] =	vst v4;
	v15 =	vmul.f32 $1.442695020e+00, v15;
	v9 =	vpop (erf);
	(erf) = vpow2.f32 v14  }
0x29e: {  	v40 =	vld [tilespmem:s14+$0x60];
	[tilespmem:s1+$0x10] =	vst v9;
	(erf) = vpow2.f32 v10  }
0x29f: {  	v48 =	vpop (erf);
	v14 =	vld [tilespmem:s17+$0x50];
	(erf) = vpow2.f32 v15;
	v15 =	vmul.f32 v45, v50  }
0x2a0: {  	v51 =	vld [tilespmem:s14+$0xFFFFFF30];
	[tilespmem:s15+$0xFFFFFFE0] =	vst v11  }
0x2a1: {  	v11 =	vld [tilespmem:s30+$0xFFFFFFB0];
	[tilespmem:s21+$0xFFFFFFD0] =	vst v15;
	v12 =	vmul.f32 v47, v12;
	v10 =	vmul.f32 v13, v1  }
0x2a2: {  	v15 =	vld [tilespmem:s17+$0xFFFFFFA0]  }
0x2a3: {  	v1 =	vpop (erf);
	[tilespmem:s21+$0xFFFFFF90] =	vst v12;
	v12 =	vld [tilespmem:s14+$0xFFFFFFB0];
	v10 =	vmul.f32 $1.442695020e+00, v10  }
0x2a4: {  	s28 =	simm.s32 $0x81C0;
	v9 =	vmul.f32 v9, v14;
	v13 =	vld [tilespmem:s17+$0xFFFFFF20];
	v52 =	vpop (erf)  }
0x2a5: {  	v53 =	vld [tilespmem:s18+$0xFFFFFFA0];
	[tilespmem:s28+$0x40] =	vst v52;
	(erf) = vpow2.f32 v10  }
0x2a6: {  	v14 =	vld [tilespmem:s20+$0xC0]  }
0x2a7: {  	v11 =	vmul.f32 v11, v51;
	v10 =	vld [tilespmem:s30+$0xFFFFFFF0]  }
0x2a8: {  	v54 =	vld [tilespmem:s18+$0xFFFFFFE0];
	[tilespmem:s21+$0x10] =	vst v9;
	v9 =	vpop (erf)  }
0x2a9: {  	v11 =	vmul.f32 $1.442695020e+00, v11;
	v55 =	vld [tilespmem:s17+$0x20];
	[tilespmem:s28+$0xFFFFFFC0] =	vst v9;
	v57 =	vpop (erf)  }
0x2aa: {  	[tilespmem:s29+$0xFFFFFFF0] =	vst v6;
	v56 =	vld [tilespmem:s20+$0xFFFFFFC0];
	v58 =	vpop (erf);
	v13 =	vmul.f32 v53, v13  }
0x2ab: {  	v59 =	vld [tilespmem:s18+$0x20];
	(erf) = vpow2.f32 v11;
	[tilespmem:s28+$0xFFFFFF80] =	vst v58;
	v14 =	vmul.f32 v52, v14  }
0x2ac: {  	s19 =	simm.s32 $0x95C0;
	[tilespmem:s28+$0x0] =	vst v57;
	v10 =	vmul.f32 v10, v12;
	v11 =	vld [tilespmem:s20+$0xFFFFFF40];
	v12 =	vmul.f32 $1.442695020e+00, v13  }
0x2ad: {  	v4 =	vmul.f32 v4, v40;
	v13 =	vld [tilespmem:s20+$0x40];
	[tilespmem:s19+$0x40] =	vst v14;
	v14 =	vmul.f32 v54, v15  }
0x2ae: {  	v7 =	vld [tilespmem:s0+$0xFFFFFFF0];
	v10 =	vmul.f32 $1.442695020e+00, v10;
	(erf) = vpow2.f32 v12;
	v15 =	vpop (erf)  }
0x2af: {  	v9 =	vmul.f32 v9, v56;
	v12 =	vld [tilespmem:s20+$0x90];
	v14 =	vmul.f32 $1.442695020e+00, v14;
	[tilespmem:s1+$0x60] =	vst v15  }
0x2b0: {  	(erf) = vpow2.f32 v10;
	v10 =	vmul.f32 v59, v55;
	v61 =	vld [tilespmem:s17+$0xE0]  }
0x2b1: {  	[tilespmem:s15+$0x20] =	vst v4;
	v60 =	vld [tilespmem:s9+$0x50];
	v11 =	vmul.f32 v58, v11;
	(erf) = vpow2.f32 v14  }
0x2b2: {  	v2 =	vmul.f32 v2, v3;
	v4 =	vld [tilespmem:s14+$0x30];
	[tilespmem:s19+$0xFFFFFFC0] =	vst v9;
	v9 =	vmul.f32 v57, v13  }
0x2b3: {  	v5 =	vmul.f32 v5, v8;
	v13 =	vld [tilespmem:s20+$0xFFFFFF90];
	v10 =	vmul.f32 $1.442695020e+00, v10;
	[tilespmem:s19+$0xFFFFFF80] =	vst v11  }
0x2b4: {  	[tilespmem:s19+$0x0] =	vst v9;
	v9 =	vld [tilespmem:s9+$0xFFFFFFD0]  }
0x2b5: {  	[tilespmem:s13+$0xFFFFFFB0] =	vst v5;
	(erf) = vpow2.f32 v10;
	v10 =	vld [tilespmem:s20+$0xFFFFFF10];
	v3 =	vmul.f32 v15, v61  }
0x2b6: {  	[tilespmem:s16+$0x70] =	vst v48;
	v8 =	vld [tilespmem:s9+$0xFFFFFF90];
	v5 =	vmul.f32 v60, v12  }
0x2b7: {  	[tilespmem:s13+$0x70] =	vst v2;
	v49 =	vld [tilespmem:s14+$0xF0];
	v2 =	vpop (erf)  }
0x2b8: {  	v14 =	vld [tilespmem:s20+$0x10];
	v5 =	vmul.f32 $1.442695020e+00, v5;
	v62 =	vpop (erf)  }
0x2b9: {  	v6 =	vmul.f32 v6, v7;
	v15 =	vld [tilespmem:s9+$0x10];
	[tilespmem:s21+$0x60] =	vst v3;
	v3 =	vpop (erf)  }
0x2ba: {  	v7 =	vmul.f32 v9, v13;
	v63 =	vld [tilespmem:s17+$0xB0];
	v11 =	vpop (erf);
	(erf) = vpow2.f32 v5  }
0x2bb: {  	[tilespmem:s1+$0xFFFFFFA0] =	vst v62;
	v8 =	vmul.f32 v8, v10;
	v9 =	vld [tilespmem:s18+$0x70]  }
0x2bc: {  	[tilespmem:s13+$0xFFFFFFF0] =	vst v6;
	v13 =	vld [tilespmem:s17+$0xFFFFFF60];
	v7 =	vmul.f32 $1.442695020e+00, v7  }
0x2bd: {  	v10 =	vld [tilespmem:s30+$0x30];
	[tilespmem:s1+$0xFFFFFFE0] =	vst v11  }
0x2be: {  	[tilespmem:s16+$0xFFFFFFB0] =	vst v2;
	v5 =	vmul.f32 v15, v14;
	(erf) = vpow2.f32 v7;
	v12 =	vld [tilespmem:s17+$0xFFFFFFE0]  }
0x2bf: {  	v6 =	vmul.f32 v48, v49;
	[tilespmem:s16+$0xFFFFFFF0] =	vst v3;
	v14 =	vmul.f32 $1.442695020e+00, v8;
	v8 =	vpop (erf);
	v7 =	vld [tilespmem:s14+$0xFFFFFF70]  }
0x2c0: {  	v15 =	vmul.f32 $1.442695020e+00, v5;
	[tilespmem:s1+$0x20] =	vst v8;
	v5 =	vld [tilespmem:s14+$0xFFFFFFF0];
	v17 =	vmul.f32 v9, v63  }
0x2c1: {  	[tilespmem:s29+$0x30] =	vst v1;
	(erf) = vpow2.f32 v14;
	v14 =	vmul.f32 v62, v13;
	v9 =	vld [tilespmem:s17+$0x60]  }
0x2c2: {  	s29 =	simm.s32 $0x3740;
	[tilespmem:s15+$0x70] =	vst v6;
	v6 =	vld [tilespmem:s0+$0x70];
	s0 =	simm.s32 $0x6DC0;
	s30 =	simm.s32 $0xC;
	(erf) = vpow2.f32 v15;
	v13 =	vmul.f32 $1.442695020e+00, v17  }
.LBB2_8:
0x2c3: {  	v15 =	vld [tilespmem:s29+$0x80];
	s9 =	sadd.s32 $0x100, s9;
	v16 =	vpop (erf);
	[tilespmem:s21+$0xFFFFFFA0] =	vst v14;
	v11 =	vmul.f32 v11, v12;
	v4 =	vmul.f32 v10, v4;
	s24 =	smov.u32 s20;
	s20 =	smov.u32 s29  }
0x2c4: {  	v10 =	vld [tilespmem:s9+$0x40];
	[tilespmem:s28+$0x50] =	vst v16;
	(erf) = vpow2.f32 v13;
	v2 =	vmul.f32 v2, v7  }
0x2c5: {  	v7 =	vld [tilespmem:s24+$0xD0];
	[tilespmem:s21+$0xFFFFFFE0] =	vst v11;
	v3 =	vmul.f32 v3, v5;
	v4 =	vmul.f32 $1.442695020e+00, v4  }
0x2c6: {  	v5 =	vld [tilespmem:s9+$0xFFFFFF80];
	v8 =	vmul.f32 v8, v9;
	[tilespmem:s15+$0xFFFFFFB0] =	vst v2  }
0x2c7: {  	s30 =	sadd.s32 $0x4, s30;
	v2 =	vld [tilespmem:s29+$0xFFFFFF80];
	v9 =	vpop (erf);
	[tilespmem:s15+$0xFFFFFFF0] =	vst v3;
	(erf) = vpow2.f32 v4;
	v1 =	vmul.f32 v1, v6  }
0x2c8: {  	p0 =	slt.u32 s30, $0x4C;
	v3 =	vld [tilespmem:s9+$0xFFFFFFC0];
	[tilespmem:s28+$0xFFFFFFD0] =	vst v9  }
0x2c9: {  	v4 =	vld [tilespmem:s29+$0x0];
	v6 =	vmul.f32 v10, v15;
	[tilespmem:s21+$0x20] =	vst v8  }
0x2ca: {  	v8 =	vld [tilespmem:s9+$0x0];
	v7 =	vmul.f32 v16, v7;
	v10 =	vpop (erf);
	[tilespmem:s13+$0x30] =	vst v1;
	s13 =	smov.u32 s15;
	s15 =	smov.u32 s21;
	s21 =	smov.u32 s19  }
0x2cb: {  	v1 =	vld [tilespmem:s29+$0xFFFFFF00];
	v13 =	vmul.f32 $1.442695020e+00, v6;
	[tilespmem:s28+$0xFFFFFF90] =	vst v10;
	v11 =	vpop (erf)  }
0x2cc: {  	v12 =	vld [tilespmem:s24+$0xFFFFFF50];
	[tilespmem:s19+$0x50] =	vst v7  }
0x2cd: {  	v2 =	vmul.f32 v3, v2;
	(erf) = vpow2.f32 v13;
	[tilespmem:s28+$0x10] =	vst v11;
	v3 =	vld [tilespmem:s24+$0xA0];
	v6 =	vpop (erf)  }
0x2ce: {  	v7 =	vld [tilespmem:s0+$0x60];
	[tilespmem:s1+$0x70] =	vst v6  }
0x2cf: {  	v2 =	vmul.f32 $1.442695020e+00, v2;
	v4 =	vmul.f32 v8, v4;
	v8 =	vld [tilespmem:s17+$0xF0]  }
0x2d0: {  	v5 =	vmul.f32 v5, v1;
	v13 =	vld [tilespmem:s24+$0xFFFFFFD0];
	v1 =	vpop (erf)  }
0x2d1: {  	v4 =	vmul.f32 $1.442695020e+00, v4;
	(erf) = vpow2.f32 v2;
	v2 =	vld [tilespmem:s24+$0x50];
	[tilespmem:s16+$0x30] =	vst v1;
	s16 =	smov.u32 s1;
	s1 =	smov.u32 s28  }
0x2d2: {  	v10 =	vmul.f32 v10, v12;
	v5 =	vmul.f32 $1.442695020e+00, v5;
	v12 =	vld [tilespmem:s17+$0xFFFFFF30]  }
0x2d3: {  	(erf) = vpow2.f32 v4;
	v3 =	vmul.f32 v7, v3;
	v4 =	vld [tilespmem:s18+$0xFFFFFFB0]  }
0x2d4: {  	(erf) = vpow2.f32 v5;
	[tilespmem:s19+$0xFFFFFF90] =	vst v10;
	v5 =	vld [tilespmem:s17+$0xFFFFFFB0];
	v6 =	vmul.f32 v6, v8  }
0x2d5: {  	v7 =	vld [tilespmem:s24+$0xFFFFFF20];
	v8 =	vmul.f32 v9, v13;
	v3 =	vmul.f32 $1.442695020e+00, v3  }
0x2d6: {  	s28 =	sadd.s32 $0x100, s28;
	v9 =	vpop (erf);
	v10 =	vld [tilespmem:s0+$0xFFFFFFA0];
	v2 =	vmul.f32 v11, v2;
	[tilespmem:s15+$0x70] =	vst v6  }
0x2d7: {  	[tilespmem:s28+$0x40] =	vst v9;
	(erf) = vpow2.f32 v3;
	v3 =	vld [tilespmem:s18+$0xFFFFFFF0]  }
0x2d8: {  	v6 =	vld [tilespmem:s29+$0xC0];
	[tilespmem:s19+$0xFFFFFFD0] =	vst v8;
	v4 =	vmul.f32 v4, v12  }
0x2d9: {  	v8 =	vld [tilespmem:s24+$0xFFFFFFA0];
	[tilespmem:s19+$0x10] =	vst v2  }
0x2da: {  	v2 =	vpop (erf);
	v11 =	vld [tilespmem:s0+$0xFFFFFFE0];
	v4 =	vmul.f32 $1.442695020e+00, v4  }
0x2db: {  	[tilespmem:s28+$0xFFFFFFC0] =	vst v2;
	v7 =	vmul.f32 v10, v7;
	v10 =	vld [tilespmem:s24+$0x20]  }
0x2dc: {  	v12 =	vld [tilespmem:s29+$0xFFFFFFC0];
	v13 =	vpop (erf);
	v3 =	vmul.f32 v3, v5;
	(erf) = vpow2.f32 v4  }
0x2dd: {  	[tilespmem:s28+$0x0] =	vst v13;
	v4 =	vmul.f32 v9, v6;
	v5 =	vpop (erf);
	v6 =	vmul.f32 $1.442695020e+00, v7;
	v7 =	vld [tilespmem:s0+$0x20]  }
0x2de: {  	s19 =	sadd.s32 $0x100, s19;
	[tilespmem:s28+$0xFFFFFF80] =	vst v5;
	v9 =	vld [tilespmem:s29+$0x40];
	v3 =	vmul.f32 $1.442695020e+00, v3  }
0x2df: {  	v14 =	vld [tilespmem:s29+$0xFFFFFF40];
	[tilespmem:s19+$0x40] =	vst v4;
	v4 =	vmul.f32 v11, v8;
	(erf) = vpow2.f32 v6  }
0x2e0: {  	v6 =	vld [tilespmem:s29+$0x90];
	v8 =	vpop (erf);
	(erf) = vpow2.f32 v3  }
0x2e1: {  	v2 =	vmul.f32 v2, v12;
	v3 =	vld [tilespmem:s9+$0x50];
	v4 =	vmul.f32 $1.442695020e+00, v4;
	[tilespmem:s1+$0x60] =	vst v8  }
0x2e2: {  	v7 =	vmul.f32 v7, v10;
	v10 =	vld [tilespmem:s24+$0xE0]  }
0x2e3: {  	[tilespmem:s19+$0xFFFFFFC0] =	vst v2;
	v12 =	vmul.f32 v13, v9;
	(erf) = vpow2.f32 v4;
	v4 =	vld [tilespmem:s17+$0x30]  }
0x2e4: {  	v5 =	vmul.f32 v5, v14;
	v9 =	vld [tilespmem:s29+$0xFFFFFF90];
	v7 =	vmul.f32 $1.442695020e+00, v7  }
0x2e5: {  	v11 =	vld [tilespmem:s9+$0xFFFFFFD0];
	[tilespmem:s19+$0x0] =	vst v12;
	v2 =	vpop (erf)  }
0x2e6: {  	[tilespmem:s19+$0xFFFFFF80] =	vst v5;
	v5 =	vld [tilespmem:s29+$0x10];
	v14 =	vmul.f32 v3, v6;
	(erf) = vpow2.f32 v7  }
0x2e7: {  	v6 =	vld [tilespmem:s29+$0xFFFFFF10];
	v7 =	vmul.f32 v8, v10;
	[tilespmem:s16+$0xFFFFFFB0] =	vst v2  }
0x2e8: {  	v8 =	vld [tilespmem:s9+$0xFFFFFF90];
	v10 =	vmul.f32 $1.442695020e+00, v14;
	v13 =	vpop (erf)  }
0x2e9: {  	v12 =	vld [tilespmem:s9+$0x10];
	[tilespmem:s21+$0x60] =	vst v7;
	v3 =	vpop (erf)  }
0x2ea: {  	v7 =	vmul.f32 v11, v9;
	(erf) = vpow2.f32 v10;
	[tilespmem:s1+$0xFFFFFFA0] =	vst v13;
	v9 =	vld [tilespmem:s24+$0xB0]  }
0x2eb: {  	v14 =	vld [tilespmem:s0+$0x70];
	[tilespmem:s16+$0xFFFFFFF0] =	vst v3  }
0x2ec: {  	v7 =	vmul.f32 $1.442695020e+00, v7;
	v15 =	vld [tilespmem:s24+$0xFFFFFF60];
	v11 =	vpop (erf)  }
0x2ed: {  	v6 =	vmul.f32 v8, v6;
	[tilespmem:s1+$0xFFFFFFE0] =	vst v11;
	v10 =	vld [tilespmem:s18+$0x30];
	s18 =	smov.u32 s0;
	s0 =	smov.u32 s9  }
.Ltmp2:
0x2ee: {  	v5 =	vmul.f32 v12, v5;
	(erf) = vpow2.f32 v7;
	v12 =	vld [tilespmem:s24+$0xFFFFFFE0];
	(pc) =	sbr.rel @p0 .LBB2_8-.Ltmp2, $4  }
0x2ef: {  	v6 =	vmul.f32 $1.442695020e+00, v6;
	v8 =	vpop (erf);
	v7 =	vld [tilespmem:s17+$0xFFFFFF70]  }
0x2f0: {  	v16 =	vmul.f32 $1.442695020e+00, v5;
	[tilespmem:s1+$0x20] =	vst v8;
	v17 =	vmul.f32 v14, v9;
	v5 =	vld [tilespmem:s17+$0xFFFFFFF0]  }
0x2f1: {  	(erf) = vpow2.f32 v6;
	v14 =	vmul.f32 v13, v15;
	v9 =	vld [tilespmem:s24+$0x60]  }
0x2f2: {  	s29 =	sadd.s32 $0x200, s29;
	(erf) = vpow2.f32 v16;
	v13 =	vmul.f32 $1.442695020e+00, v17;
	v6 =	vld [tilespmem:s14+$0x70];
	s14 =	smov.u32 s17;
	s17 =	smov.u32 s24  }
0x2f3: {  	_ =	sdelay $0x3  }
0x2f4: {  	v15 =	vpop (erf)  }
0x2f5: {  	[tilespmem:s28+$0x50] =	vst v15  }
0x2f6: {  	[tilespmem:s21+$0xFFFFFFA0] =	vst v14;
	v16 =	vld [tilespmem:s20+$0xD0];
	v17 =	vpop (erf)  }
0x2f7: {  	v53 =	vld [tilespmem:s17+$0xFFFFFF30];
	[tilespmem:s28+$0xFFFFFFD0] =	vst v17;
	v50 =	vpop (erf)  }
0x2f8: {  	v11 =	vmul.f32 v11, v12;
	v21 =	vld [tilespmem:s20+$0xFFFFFFD0];
	[tilespmem:s28+$0xFFFFFF90] =	vst v50  }
0x2f9: {  	v18 =	vld [tilespmem:s20+$0xFFFFFF50]  }
0x2fa: {  	v54 =	vld [tilespmem:s18+$0xFFFFFFB0];
	[tilespmem:s21+$0xFFFFFFE0] =	vst v11  }
0x2fb: {  	v55 =	vld [tilespmem:s17+$0xFFFFFFB0];
	v15 =	vmul.f32 v15, v16;
	v19 =	vpop (erf)  }
0x2fc: {  	v59 =	vld [tilespmem:s18+$0xFFFFFFF0];
	[tilespmem:s28+$0x10] =	vst v19  }
0x2fd: {  	[tilespmem:s19+$0x50] =	vst v15;
	v51 =	vld [tilespmem:s20+$0x50];
	v17 =	vmul.f32 v17, v21  }
0x2fe: {  	v15 =	vld [tilespmem:s20+$0xA0];
	v52 =	vmul.f32 v50, v18  }
0x2ff: {  	v20 =	vld [tilespmem:s0+$0x60];
	[tilespmem:s19+$0xFFFFFFD0] =	vst v17  }
0x300: {  	v17 =	vld [tilespmem:s20+$0xFFFFFFA0];
	[tilespmem:s19+$0xFFFFFF90] =	vst v52  }
0x301: {  	v4 =	vmul.f32 v10, v4;
	v56 =	vld [tilespmem:s20+$0xFFFFFF20]  }
0x302: {  	v58 =	vmul.f32 v19, v51;
	v57 =	vld [tilespmem:s0+$0xFFFFFFA0]  }
0x303: {  	v4 =	vmul.f32 $1.442695020e+00, v4;
	v60 =	vld [tilespmem:s0+$0xFFFFFFE0]  }
0x304: {  	(erf) = vpow2.f32 v13;
	v11 =	vmul.f32 v54, v53;
	[tilespmem:s19+$0x10] =	vst v58  }
0x305: {  	(erf) = vpow2.f32 v4;
	v15 =	vmul.f32 v20, v15;
	v62 =	vld [tilespmem:s20+$0x20]  }
0x306: {  	v11 =	vmul.f32 $1.442695020e+00, v11;
	v12 =	vmul.f32 v59, v55;
	v20 =	vld [tilespmem:s0+$0x20]  }
0x307: {  	v61 =	vmul.f32 $1.442695020e+00, v15;
	v63 =	vmul.f32 v57, v56  }
0x308: {  	v21 =	vmul.f32 $1.442695020e+00, v12;
	v10 =	vmul.f32 v60, v17  }
0x309: {  	(erf) = vpow2.f32 v61;
	v4 =	vmul.f32 $1.442695020e+00, v63  }
0x30a: {  	(erf) = vpow2.f32 v11;
	v22 =	vmul.f32 $1.442695020e+00, v10  }
0x30b: {  	v23 =	vmul.f32 v20, v62;
	(erf) = vpow2.f32 v4  }
0x30c: {  	(erf) = vpow2.f32 v21  }
0x30d: {  	v24 =	vmul.f32 $1.442695020e+00, v23;
	(erf) = vpow2.f32 v22;
	_ =	sdelay $0x1  }
0x30e: {  	v25 =	vpop (erf);
	(erf) = vpow2.f32 v24;
	_ =	sdelay $0x1  }
0x30f: {  	v26 =	vpop (erf)  }
0x310: {  	v27 =	vpop (erf)  }
0x311: {  	[tilespmem:s28+$0x60] =	vst v27;
	v29 =	vpop (erf)  }
0x312: {  	v28 =	vld [tilespmem:s20+$0xE0];
	v30 =	vpop (erf)  }
0x313: {  	v31 =	vpop (erf);
	[tilespmem:s28+$0xFFFFFFA0] =	vst v30  }
0x314: {  	v8 =	vmul.f32 v8, v9;
	v32 =	vld [tilespmem:s20+$0xFFFFFF60];
	v33 =	vpop (erf)  }
0x315: {  	[tilespmem:s28+$0xFFFFFFE0] =	vst v33  }
0x316: {  	[tilespmem:s21+$0x20] =	vst v8;
	v36 =	vpop (erf);
	v35 =	vld [tilespmem:s20+$0xFFFFFFE0]  }
0x317: {  	v37 =	vld [tilespmem:s17+$0x30];
	v34 =	vmul.f32 v27, v28;
	[tilespmem:s28+$0x20] =	vst v36  }
0x318: {  	v38 =	vld [tilespmem:s20+$0x60]  }
0x319: {  	v41 =	vld [tilespmem:s18+$0x30];
	[tilespmem:s19+$0x60] =	vst v34;
	v9 =	vmul.f32 v30, v32  }
0x31a: {  	v39 =	vld [tilespmem:s20+$0xB0]  }
0x31b: {  	v40 =	vld [tilespmem:s0+$0x70];
	[tilespmem:s19+$0xFFFFFFA0] =	vst v9;
	v11 =	vmul.f32 v33, v35  }
0x31c: {  	v42 =	vld [tilespmem:s20+$0xFFFFFF30]  }
0x31d: {  	v8 =	vmul.f32 v36, v38;
	v43 =	vld [tilespmem:s0+$0xFFFFFFB0];
	[tilespmem:s19+$0xFFFFFFE0] =	vst v11  }
0x31e: {  	v44 =	vld [tilespmem:s20+$0xFFFFFFB0]  }
0x31f: {  	[tilespmem:s19+$0x20] =	vst v8;
	v45 =	vld [tilespmem:s0+$0xFFFFFFF0]  }
0x320: {  	v14 =	vmul.f32 v40, v39;
	v46 =	vld [tilespmem:s20+$0x30]  }
0x321: {  	v9 =	vmul.f32 v41, v37;
	v47 =	vld [tilespmem:s0+$0x30]  }
0x322: {  	v2 =	vmul.f32 v2, v7;
	v48 =	vmul.f32 $1.442695020e+00, v14  }
0x323: {  	v9 =	vmul.f32 $1.442695020e+00, v9;
	v11 =	vmul.f32 v43, v42  }
0x324: {  	(erf) = vpow2.f32 v48;
	v49 =	vmul.f32 v45, v44  }
0x325: {  	(erf) = vpow2.f32 v9;
	v50 =	vmul.f32 $1.442695020e+00, v11  }
0x326: {  	v51 =	vmul.f32 v47, v46;
	v7 =	vmul.f32 $1.442695020e+00, v49  }
0x327: {  	v3 =	vmul.f32 v3, v5;
	[tilespmem:s1+$0x70] =	vst v25;
	(erf) = vpow2.f32 v50  }
0x328: {  	v52 =	vld [tilespmem:s17+$0xF0];
	v53 =	vmul.f32 $1.442695020e+00, v51;
	(erf) = vpow2.f32 v7  }
0x329: {  	[tilespmem:s15+$0xFFFFFFB0] =	vst v2;
	v1 =	vmul.f32 v1, v6  }
0x32a: {  	[tilespmem:s15+$0xFFFFFFF0] =	vst v3;
	(erf) = vpow2.f32 v53  }
0x32b: {  	[tilespmem:s13+$0x30] =	vst v1  }
0x32c: {  	[tilespmem:s16+$0x30] =	vst v26  }
0x32d: {  	v1 =	vmul.f32 v25, v52;
	[tilespmem:s1+$0xFFFFFFB0] =	vst v29  }
0x32e: {  	v3 =	vld [tilespmem:s17+$0xFFFFFF70];
	[tilespmem:s1+$0xFFFFFFF0] =	vst v31;
	v2 =	vpop (erf)  }
0x32f: {  	[tilespmem:s21+$0x70] =	vst v1;
	v1 =	vld [tilespmem:s17+$0xFFFFFFF0];
	v54 =	vpop (erf)  }
0x330: {  	v55 =	vld [tilespmem:s14+$0x70];
	[tilespmem:s28+$0x70] =	vst v2;
	v56 =	vpop (erf)  }
0x331: {  	v57 =	vld [tilespmem:s20+$0xF0];
	[tilespmem:s28+$0xFFFFFFB0] =	vst v56;
	v58 =	vpop (erf)  }
0x332: {  	v59 =	vld [tilespmem:s20+$0xFFFFFF70];
	[tilespmem:s28+$0xFFFFFFF0] =	vst v58  }
0x333: {  	v3 =	vmul.f32 v29, v3;
	[tilespmem:s1+$0x30] =	vst v54;
	v61 =	vpop (erf);
	v60 =	vld [tilespmem:s20+$0xFFFFFFF0]  }
0x334: {  	v1 =	vmul.f32 v31, v1;
	v62 =	vld [tilespmem:s17+$0x70];
	[tilespmem:s28+$0x30] =	vst v61  }
0x335: {  	[tilespmem:s21+$0xFFFFFFB0] =	vst v3;
	v3 =	vmul.f32 v26, v55;
	v63 =	vld [tilespmem:s20+$0x70]  }
0x336: {  	[tilespmem:s21+$0xFFFFFFF0] =	vst v1;
	v1 =	vmul.f32 v2, v57  }
0x337: {  	[tilespmem:s15+$0x30] =	vst v3;
	v2 =	vmul.f32 v56, v59  }
0x338: {  	[tilespmem:s19+$0x70] =	vst v1;
	v1 =	vmul.f32 v58, v60  }
0x339: {  	s30 =	smul.u32 $0x140, s12;
	s11 =	sadd.s32 $0x1, s11;
	[tilespmem:s19+$0xFFFFFFB0] =	vst v2;
	v2 =	vmul.f32 v54, v62  }
0x33a: {  	p0 =	sne.s32 s11, $0x5;
	[tilespmem:s19+$0xFFFFFFF0] =	vst v1;
	v1 =	vmul.f32 v61, v63  }
.Ltmp3:
0x33b: {  	s0 =	sshra.s32 s30, $0x2;
	[tilespmem:s21+$0x30] =	vst v2;
	(pc) =	sbr.rel @p0 .LBB2_5-.Ltmp3, $4  }
0x33c: {  	s0 =	sadd.s32 $0x320, s0;
	[tilespmem:s19+$0x30] =	vst v1  }
0x33d: {  	[spmem:s22] =	stream.indirect.scatter.add.f32 [tilespmem:s5], [sflag:$0x3], $0x40, s0, s31, $0xb8;
	[tilespmem:$0x1F640] =	vst v63  }
0x33e: {  	_ = 	snop  }
0x33f: {  	[spmem:s25] =	stream.indirect.scatter.add.f32 [tilespmem:s6], [sflag:$0x3], $0x40, s0, s31, $0xb8;
	[tilespmem:$0x1F640] =	vst v63  }
0x340: {  	s10 =	sadd.s32 $0x1, s10  }
0x341: {  	p0 =	sne.s32 s10, $0x19  }
.Ltmp4:
0x342: {  	_ = 	snop;
	(pc) =	sbr.rel @p0 .LBB2_4-.Ltmp4, $1  }
0x343: {  	_ =	sdelay $0x3  }
0x344: {  	_ =	swait.ge [sflag:s8], $0x1400  }
0x345: {  	[sflag:s8] =	ssyncset.done $0x0  }
0x346: {  	[sflag:s8] =	ssyncadd.s32 $0xFFFFEC00  }
0x347: {  	_ =	swait.ge [sflag:s8], $0x1400  }
0x348: {  	[sflag:s8] =	ssyncset.done $0x0  }
0x349: {  	[sflag:s8] =	ssyncadd.s32 $0xFFFFEC00  }
0x34a: {  	s0 =	stileid.u32;
	[bflag:$0x0] =	sbarrier.arrive $0xFFFF  }
0x34b: {  	s17 =	simm.s32 $0x4;
	s0 =	sshll.u32 s0, $0x6;
	s10 =	rddreg [dreg:$0x1d]  }
0x34c: {  	s0 =	sor.u32 $0x1C04, s0;
	s9 =	rddreg [dreg:$0x6];
	s1 =	sshrl.u32 s10, $0x3  }
0x34d: {  	[hbm:s9], [sflag:s0] =	dma.local [spmem:s1], $0x200  }
0x34e: {  	_ =	swait.ge [sflag:s17], $0x200  }
0x34f: {  	[sflag:s17] =	ssyncset.done $0x0;
	s11 =	rddreg [dreg:$0x1e]  }
0x350: {  	s24 =	rddreg [dreg:$0x7];
	[sflag:s17] =	ssyncadd.s32 $0xFFFFFE00;
	s21 =	sshrl.u32 s11, $0x3  }
0x351: {  	[hbm:s24], [sflag:s0] =	dma.local [spmem:s21], $0x200  }
0x352: {  	_ =	swait.ge [sflag:s17], $0x200  }
0x353: {  	[sflag:s17] =	ssyncset.done $0x0;
	s15 =	rddreg [dreg:$0x1f]  }
0x354: {  	s13 =	rddreg [dreg:$0x8];
	[sflag:s17] =	ssyncadd.s32 $0xFFFFFE00;
	s12 =	sshrl.u32 s15, $0x3  }
0x355: {  	[hbm:s13], [sflag:s0] =	dma.local [spmem:s12], $0x200  }
0x356: {  	_ =	swait.ge [sflag:s17], $0x200  }
0x357: {  	s12 =	sld [smem:$0x7F3];
	_ =	sdelay $0x1  }
0x358: {  	[sflag:s17] =	ssyncset.done $0x0  }
0x359: {  	s16 =	rddreg [dreg:$0x9];
	[sflag:s17] =	ssyncadd.s32 $0xFFFFFE00;
	s14 =	sshrl.u32 s12, $0x3  }
0x35a: {  	[hbm:s16], [sflag:s0] =	dma.local [spmem:s14], $0x200  }
0x35b: {  	_ =	swait.ge [sflag:s17], $0x200  }
0x35c: {  	s19 =	sld [smem:$0x7F4];
	_ =	sdelay $0x1  }
0x35d: {  	[sflag:s17] =	ssyncset.done $0x0  }
0x35e: {  	s20 =	rddreg [dreg:$0xa];
	[sflag:s17] =	ssyncadd.s32 $0xFFFFFE00;
	s18 =	sshrl.u32 s19, $0x3  }
0x35f: {  	[hbm:s20], [sflag:s0] =	dma.local [spmem:s18], $0x200  }
0x360: {  	_ =	swait.ge [sflag:s17], $0x200  }
0x361: {  	s20 =	sld [smem:$0x7F5];
	_ =	sdelay $0x1  }
0x362: {  	[sflag:s17] =	ssyncset.done $0x0  }
0x363: {  	s24 =	rddreg [dreg:$0xb];
	[sflag:s17] =	ssyncadd.s32 $0xFFFFFE00;
	s21 =	sshrl.u32 s20, $0x3  }
0x364: {  	[hbm:s24], [sflag:s0] =	dma.local [spmem:s21], $0x200  }
0x365: {  	_ =	swait.ge [sflag:s17], $0x200  }
0x366: {  	s21 =	sld [smem:$0x7F6];
	_ =	sdelay $0x1  }
0x367: {  	[sflag:s17] =	ssyncset.done $0x0  }
0x368: {  	s14 =	rddreg [dreg:$0xc];
	[sflag:s17] =	ssyncadd.s32 $0xFFFFFE00;
	s13 =	sshrl.u32 s21, $0x3  }
0x369: {  	[hbm:s14], [sflag:s0] =	dma.local [spmem:s13], $0x200  }
0x36a: {  	_ =	swait.ge [sflag:s17], $0x200  }
0x36b: {  	s24 =	sld [smem:$0x7F7];
	_ =	sdelay $0x1  }
0x36c: {  	[sflag:s17] =	ssyncset.done $0x0  }
0x36d: {  	s18 =	rddreg [dreg:$0xd];
	[sflag:s17] =	ssyncadd.s32 $0xFFFFFE00;
	s16 =	sshrl.u32 s24, $0x3  }
0x36e: {  	[hbm:s18], [sflag:s0] =	dma.local [spmem:s16], $0x200  }
0x36f: {  	_ =	swait.ge [sflag:s17], $0x200  }
0x370: {  	s28 =	sld [smem:$0x7F8];
	_ =	sdelay $0x1  }
0x371: {  	[sflag:s17] =	ssyncset.done $0x0  }
0x372: {  	s14 =	rddreg [dreg:$0xe];
	[sflag:s17] =	ssyncadd.s32 $0xFFFFFE00;
	s13 =	sshrl.u32 s28, $0x3  }
0x373: {  	[hbm:s14], [sflag:s0] =	dma.local [spmem:s13], $0x200  }
0x374: {  	_ =	swait.ge [sflag:s17], $0x200  }
0x375: {  	s29 =	sld [smem:$0x7F9];
	_ =	sdelay $0x1  }
0x376: {  	[sflag:s17] =	ssyncset.done $0x0  }
0x377: {  	s18 =	rddreg [dreg:$0xf];
	[sflag:s17] =	ssyncadd.s32 $0xFFFFFE00;
	s16 =	sshrl.u32 s29, $0x3  }
0x378: {  	[hbm:s18], [sflag:s0] =	dma.local [spmem:s16], $0x200  }
0x379: {  	_ =	swait.ge [sflag:s17], $0x200  }
0x37a: {  	s30 =	sld [smem:$0x7FA];
	_ =	sdelay $0x1  }
0x37b: {  	[sflag:s17] =	ssyncset.done $0x0  }
0x37c: {  	s14 =	rddreg [dreg:$0x10];
	[sflag:s17] =	ssyncadd.s32 $0xFFFFFE00;
	s13 =	sshrl.u32 s30, $0x3  }
0x37d: {  	[hbm:s14], [sflag:s0] =	dma.local [spmem:s13], $0x200  }
0x37e: {  	_ =	swait.ge [sflag:s17], $0x200  }
0x37f: {  	s16 =	sld [smem:$0x7EC];
	_ =	sdelay $0x1  }
0x380: {  	[sflag:s17] =	ssyncset.done $0x0  }
0x381: {  	s18 =	rddreg [dreg:$0x11];
	[sflag:s17] =	ssyncadd.s32 $0xFFFFFE00;
	s1 =	sshrl.u32 s16, $0x3  }
0x382: {  	[hbm:s18], [sflag:s0] =	dma.local [spmem:s1], $0x200  }
0x383: {  	_ =	swait.ge [sflag:s17], $0x200  }
0x384: {  	s13 =	sld [smem:$0x7ED];
	_ =	sdelay $0x1  }
0x385: {  	[sflag:s17] =	ssyncset.done $0x0  }
0x386: {  	s14 =	rddreg [dreg:$0x12];
	[sflag:s17] =	ssyncadd.s32 $0xFFFFFE00;
	s1 =	sshrl.u32 s13, $0x3  }
0x387: {  	[hbm:s14], [sflag:s0] =	dma.local [spmem:s1], $0x200  }
0x388: {  	_ =	swait.ge [sflag:s17], $0x200  }
0x389: {  	s16 =	sld [smem:$0x7EE];
	_ =	sdelay $0x1  }
0x38a: {  	[sflag:s17] =	ssyncset.done $0x0  }
0x38b: {  	s18 =	rddreg [dreg:$0x13];
	[sflag:s17] =	ssyncadd.s32 $0xFFFFFE00;
	s1 =	sshrl.u32 s16, $0x3  }
0x38c: {  	[hbm:s18], [sflag:s0] =	dma.local [spmem:s1], $0x200  }
0x38d: {  	_ =	swait.ge [sflag:s17], $0x200  }
0x38e: {  	s13 =	sld [smem:$0x7EF];
	_ =	sdelay $0x1  }
0x38f: {  	[sflag:s17] =	ssyncset.done $0x0  }
0x390: {  	s14 =	rddreg [dreg:$0x14];
	[sflag:s17] =	ssyncadd.s32 $0xFFFFFE00;
	s1 =	sshrl.u32 s13, $0x3  }
0x391: {  	[hbm:s14], [sflag:s0] =	dma.local [spmem:s1], $0x200  }
0x392: {  	_ =	swait.ge [sflag:s17], $0x200  }
0x393: {  	s13 =	sld [smem:$0x7FB];
	_ =	sdelay $0x1  }
0x394: {  	[sflag:s17] =	ssyncset.done $0x0  }
0x395: {  	s18 =	rddreg [dreg:$0x15];
	[sflag:s17] =	ssyncadd.s32 $0xFFFFFE00;
	s16 =	sshrl.u32 s13, $0x3  }
0x396: {  	[hbm:s18], [sflag:s0] =	dma.local [spmem:s16], $0x200  }
0x397: {  	_ =	swait.ge [sflag:s17], $0x200  }
0x398: {  	s9 =	sld [smem:$0x7F0];
	_ =	sdelay $0x1  }
0x399: {  	[sflag:s17] =	ssyncset.done $0x0  }
0x39a: {  	s14 =	rddreg [dreg:$0x16];
	[sflag:s17] =	ssyncadd.s32 $0xFFFFFE00;
	s1 =	sshrl.u32 s9, $0x3  }
0x39b: {  	[hbm:s14], [sflag:s0] =	dma.local [spmem:s1], $0x200  }
0x39c: {  	_ =	swait.ge [sflag:s17], $0x200  }
0x39d: {  	s14 =	sld [smem:$0x7FC];
	_ =	sdelay $0x1  }
0x39e: {  	[sflag:s17] =	ssyncset.done $0x0  }
0x39f: {  	s18 =	rddreg [dreg:$0x17];
	[sflag:s17] =	ssyncadd.s32 $0xFFFFFE00;
	s16 =	sshrl.u32 s14, $0x3  }
0x3a0: {  	[hbm:s18], [sflag:s0] =	dma.local [spmem:s16], $0x200  }
0x3a1: {  	_ =	swait.ge [sflag:s17], $0x200  }
0x3a2: {  	s16 =	sld [smem:$0x7F1];
	_ =	sdelay $0x1  }
0x3a3: {  	[sflag:s17] =	ssyncset.done $0x0  }
0x3a4: {  	s18 =	rddreg [dreg:$0x18];
	[sflag:s17] =	ssyncadd.s32 $0xFFFFFE00;
	s1 =	sshrl.u32 s16, $0x3  }
0x3a5: {  	[hbm:s18], [sflag:s0] =	dma.local [spmem:s1], $0x200  }
0x3a6: {  	_ =	swait.ge [sflag:s17], $0x200  }
0x3a7: {  	s16 =	sld [smem:$0x7FD];
	_ =	sdelay $0x1  }
0x3a8: {  	[sflag:s17] =	ssyncset.done $0x0  }
0x3a9: {  	s18 =	rddreg [dreg:$0x19];
	[sflag:s17] =	ssyncadd.s32 $0xFFFFFE00;
	s9 =	sshrl.u32 s16, $0x3  }
0x3aa: {  	[hbm:s18], [sflag:s0] =	dma.local [spmem:s9], $0x200  }
0x3ab: {  	_ =	swait.ge [sflag:s17], $0x200  }
0x3ac: {  	s18 =	rddreg [dreg:$0x5]  }
0x3ad: {  	s9 =	rddreg [dreg:$0x1c];
	s18 =	sadd.s32 $0x1, s18  }
0x3ae: {  	p0 =	sne.s32 s18, s9  }
.Ltmp5:
0x3af: {  	_ = 	snop;
	(pc) =	sbr.rel @p0 .LBB2_1-.Ltmp5, $3  }
0x3b0: {  	_ =	sdelay $0x1  }
0x3b1: {  	[sflag:s17] =	ssyncset.done $0x0  }
0x3b2: {  	[sflag:s17] =	ssyncadd.s32 $0xFFFFFE00  }
0x3b3: {  	_ =	sfence.sel $0x180000  }
0x3b4: {  	[bflag:$0x0] =	sbarrier.arrive $0xFFFF  }
0x3b5: {  	_ =	strace $0x90000047  }
0x3b6: {  	s0 =	stileid.u32;
	[bflag:$0x2] =	sbarrier.arrive $0xFFFF  }
0x3b7: {  	p0 =	sne.s32 s0, $0x0;
	s0 =	rddreg [dreg:$0x4]  }
0x3b8: {  	s0 =	sadd.s32 @!p0 $0x100000, s0  }
0x3b9: {  	[sflag:s0] =	ssyncadd.tile.s32 @!p0 $0x1;
	_ =	shalt  }
.Lfunc_end2:
_tile_overlayer_lowered:
.L_overlay_start_2:
0x3ba: {  	(tag) =	ssettag $0x2  }
0x3bb: {  	s0 =	rddreg [dreg:$0x0];
	s2 =	stileid.u32  }
0x3bc: {  	s1 =	rddreg [dreg:$0x1];
	p0 =	sne.s32 s2, $0x0  }
0x3bd: {  	s3 =	rddreg [dreg:$0x2];
	[bflag:$0x3] =	sbarrier.arrive $0xFFFF;
	s2 =	simm.s32 @!p0 $0x1C04  }
0x3be: {  	[timem:s3], [sflag:s2] =	dma.local @!p0 [hbm:s0], s1  }
0x3bf: {  	s0 =	simm.s32 @!p0 $0x4  }
0x3c0: {  	_ =	swait.ge @!p0 [sflag:s0], s1  }
0x3c1: {  	s1 =	ssub.s32 @!p0 $0x0, s1;
	[sflag:s0] =	ssyncset.done @!p0 $0x0  }
0x3c2: {  	[sflag:s0] =	ssyncadd.s32 @!p0 s1  }
0x3c3: {  	[bflag:$0x3] =	sbarrier.arrive $0xFFFF  }
0x3c4: {  	_ =	shalt  }

</sc_bundles>
